<compile_context>
chip_gen: v7x
topology: tpu7x:2x2x1
jax: 0.10.2.dev20260603
libtpu: 0.0.44.dev20260713+nightly
codegen_flags: <defaults>
</compile_context>

<pallas_src>
import functools

import jax
import jax.numpy as jnp
from jax import lax
from jax.experimental import pallas as pl
from jax.experimental.pallas import tpu as pltpu
from jax.experimental.pallas import tpu_sc as plsc

B = 1024
L = 200
D = 64

NC = 2
NS = 16
NW = NC * NS

ROWS = B * L
RPW = ROWS // NW
C = 128
NCHUNK = RPW // C


def _collate_kernel(idx0, idx1, idx2, len0, len1, len2, table,
                    out0, out1, out2,
                    idx_v, rows_v, len_v, sem):
    wid = lax.axis_index("s") * NC + lax.axis_index("c")
    base0 = wid * RPW

    lanes = lax.iota(jnp.int32, 16)
    zeros = jnp.zeros((16,), jnp.float32)

    for idx_hbm, len_hbm, out_hbm in ((idx0, len0, out0),
                                      (idx1, len1, out1),
                                      (idx2, len2, out2)):
        pltpu.sync_copy(len_hbm, len_v)

        def chunk_body(ci, _, idx_hbm=idx_hbm, out_hbm=out_hbm):
            base = base0 + ci * C
            pltpu.sync_copy(idx_hbm.at[pl.ds(base, C)], idx_v)
            pltpu.async_copy(table.at[idx_v], rows_v, sem).wait()

            def group_body(g, _):
                ridx = g * 16 + lanes
                pvec = base + ridx
                b = pvec // L
                j = pvec - b * L
                lens = plsc.load_gather(len_v, [b])
                invalid = j >= lens

                @pl.when(jnp.any(invalid))
                def _():
                    for col in range(D):
                        plsc.store_scatter(
                            rows_v,
                            [ridx, jnp.full((16,), col, jnp.int32)],
                            zeros, mask=invalid)
                return 0

            lax.fori_loop(0, C // 16, group_body, 0)
            pltpu.sync_copy(rows_v, out_hbm.at[pl.ds(base, C)])
            return 0

        lax.fori_loop(0, NCHUNK, chunk_body, 0)


@jax.jit
def _collate(idx0, idx1, idx2, len0, len1, len2, table):
    mesh = plsc.VectorSubcoreMesh(core_axis_name="c", subcore_axis_name="s")
    f = functools.partial(
        pl.kernel,
        mesh=mesh,
        compiler_params=pltpu.CompilerParams(use_tc_tiling_on_sc=False,
                                             needs_layout_passes=False),
        out_type=[jax.ShapeDtypeStruct((ROWS, D), jnp.float32)] * 3,
        scratch_types=[
            pltpu.VMEM((C,), jnp.int32),
            pltpu.VMEM((C, D), jnp.float32),
            pltpu.VMEM((B,), jnp.int32),
            pltpu.SemaphoreType.DMA,
        ],
    )(_collate_kernel)
    return f(idx0, idx1, idx2, len0, len1, len2, table)


def kernel(trajs_idx, trajs1_idx, trajs2_idx, trajs_len, trajs1_len,
           trajs2_len, road_emb):
    i0 = trajs1_idx.reshape(-1).astype(jnp.int32)
    i1 = trajs2_idx.reshape(-1).astype(jnp.int32)
    i2 = trajs_idx.reshape(-1).astype(jnp.int32)
    l0 = trajs1_len.astype(jnp.int32)
    l1 = trajs2_len.astype(jnp.int32)
    l2 = trajs_len.astype(jnp.int32)
    o0, o1, o2 = _collate(i0, i1, i2, l0, l1, l2, road_emb)
    return (o0.reshape(B, L, D), trajs1_len,
            o1.reshape(B, L, D), trajs2_len,
            o2.reshape(B, L, D), trajs_len)

# --- scband reference (transcript-rebuilt; emitter-appended) ---
"""Pipeline reference for scband-custom-collate-function-65893388255845 (READ-ONLY COPY).

The authoritative reference and input builder live on the scoring server;
editing this copy changes nothing except your own understanding.
"""

import jax, jax.numpy as jnp
import numpy as np

V = 1000000
D = 64
B = 1024
L = 200


def setup_inputs(seed: int = 0) -> dict:
    key = jax.random.key(seed)
    k1, k2, k3, k4, k5, k6, k7 = jax.random.split(key, 7)
    return {
        "trajs_idx": jax.random.randint(k1, (B, L), 0, V),
        "trajs1_idx": jax.random.randint(k2, (B, L), 0, V),
        "trajs2_idx": jax.random.randint(k3, (B, L), 0, V),
        "trajs_len": jax.random.randint(k4, (B,), 1, L + 1),
        "trajs1_len": jax.random.randint(k5, (B,), 1, L + 1),
        "trajs2_len": jax.random.randint(k6, (B,), 1, L + 1),
        "road_emb": jax.random.normal(k7, (V, D), dtype=jnp.float32),
    }


def reference(trajs_idx, trajs1_idx, trajs2_idx, trajs_len, trajs1_len, trajs2_len, road_emb):
    # Tensorized equivalent of the 'road' branch of CustomCollateFunction.forward:
    # per-trajectory embedding gather (road_emb[list(t)]) followed by pad_sequence.
    # Gathers at the padded length L and zeros positions beyond each traj length,
    # which is exactly what pad_sequence(batch_first=True) produces.
    def lookup(idx, lens):
        emb = jnp.take(road_emb, idx, axis=0)  # [B, L, D] gather
        mask = (jnp.arange(idx.shape[1])[None, :] < lens[:, None]).astype(emb.dtype)
        return emb * mask[:, :, None]

    trajs_emb_road = lookup(trajs_idx, trajs_len)
    trajs1_emb_road = lookup(trajs1_idx, trajs1_len)
    trajs2_emb_road = lookup(trajs2_idx, trajs2_len)
    return (trajs1_emb_road, trajs1_len, trajs2_emb_road, trajs2_len, trajs_emb_road, trajs_len)

if __name__ == "__main__":
    import jax
    _d = setup_inputs()
    print(jax.jit(kernel)(*tuple(_d.values())))

</pallas_src>

<mosaic_0001>
#map = affine_map<(d0, d1) -> (0)>
#map1 = affine_map<(d0, d1) -> (0, 0)>
module attributes {stable_mosaic.version = 14 : i64} {
  func.func @_collate_kernel(%arg0: i32, %arg1: i32, %arg2: memref<204800xi32, #tpu.memory_space<hbm>>, %arg3: memref<204800xi32, #tpu.memory_space<hbm>>, %arg4: memref<204800xi32, #tpu.memory_space<hbm>>, %arg5: memref<1024xi32, #tpu.memory_space<hbm>>, %arg6: memref<1024xi32, #tpu.memory_space<hbm>>, %arg7: memref<1024xi32, #tpu.memory_space<hbm>>, %arg8: memref<1000000x64xf32, #tpu.memory_space<hbm>>, %arg9: memref<204800x64xf32, #tpu.memory_space<hbm>>, %arg10: memref<204800x64xf32, #tpu.memory_space<hbm>>, %arg11: memref<204800x64xf32, #tpu.memory_space<hbm>>, %arg12: memref<128xi32, #tpu.memory_space<vmem>>, %arg13: memref<128x64xf32, #tpu.memory_space<vmem>>, %arg14: memref<1024xi32, #tpu.memory_space<vmem>>, %arg15: memref<!tpu.dma_semaphore, #tpu.memory_space<semaphore_mem>>) attributes {dimension_semantics = [#tpu.dimension_semantics<core_parallel>, #tpu.dimension_semantics<subcore_parallel>], iteration_bounds = array<i64: 2, 16>, scalar_prefetch = 0 : i64, scratch_operands = 4 : i64, tpu.core_type = #tpu.core_type<sc_vector_subcore>, window_params = [{transform_indices = #map}, {transform_indices = #map}, {transform_indices = #map}, {transform_indices = #map}, {transform_indices = #map}, {transform_indices = #map}, {transform_indices = #map1}, {transform_indices = #map1}, {transform_indices = #map1}, {transform_indices = #map1}]} {
    %mul3A = arith.constant 2 : i32
    %mul3A_0 = arith.muli %arg1, %mul3A : i32
    %add3A = arith.addi %mul3A_0, %arg0 : i32
    %mul3A_1 = arith.constant 6400 : i32
    %mul3A_2 = arith.muli %add3A, %mul3A_1 : i32
    %iota3A = tpu.iota {dimensions = array<i32: 0>} : vector<16xi32>
    %broadcast_in_dim3A = arith.constant 0.000000e+00 : f32
    %broadcast_in_dim3A_3 = vector.broadcast %broadcast_in_dim3A : f32 to vector<16xf32>
    "tpu.region"() ({
      %run_scoped3A = tpu.sem_alloc : memref<!tpu.dma_semaphore, #tpu.memory_space<semaphore_mem>>
      tpu.enqueue_dma source(%arg5 : memref<1024xi32, #tpu.memory_space<hbm>>) target(%arg14 : memref<1024xi32, #tpu.memory_space<vmem>>) target_semaphore(%run_scoped3A : memref<!tpu.dma_semaphore, #tpu.memory_space<semaphore_mem>>)
      tpu.wait_dma2 semaphore(%run_scoped3A : memref<!tpu.dma_semaphore, #tpu.memory_space<semaphore_mem>>) src(%arg5 : memref<1024xi32, #tpu.memory_space<hbm>>) dst(%arg14 : memref<1024xi32, #tpu.memory_space<vmem>>)
      tpu.yield
    }) : () -> ()
    %scan3A = arith.constant 0 : i32
    %scan3A_4 = arith.constant 0 : i32
    %scan3A_5 = arith.constant 50 : i32
    %scan3A_6 = arith.addi %scan3A_4, %scan3A_5 : i32
    %scan3A_7 = arith.constant 1 : i32
    %scan3A_8 = scf.for %scan3A_24 = %scan3A_4 to %scan3A_6 step %scan3A_7 iter_args(%scan3A_25 = %scan3A) -> (i32)  : i32 {
      %mul3A_26 = arith.constant 128 : i32
      %mul3A_27 = arith.muli %scan3A_24, %mul3A_26 : i32
      %add3A_28 = arith.addi %mul3A_2, %mul3A_27 : i32
      "tpu.region"() ({
        %run_scoped3A = tpu.sem_alloc : memref<!tpu.dma_semaphore, #tpu.memory_space<semaphore_mem>>
        %dma_start3A_41 = tpu.memref_slice %arg2[%add3A_28] : memref<204800xi32, #tpu.memory_space<hbm>> -> memref<128xi32, #tpu.memory_space<hbm>>
        %dma_start3A_42 = tpu.memref_slice %arg2[%add3A_28] : memref<204800xi32, #tpu.memory_space<hbm>> -> memref<128xi32, #tpu.memory_space<hbm>>
        tpu.enqueue_dma source(%dma_start3A_42 : memref<128xi32, #tpu.memory_space<hbm>>) target(%arg12 : memref<128xi32, #tpu.memory_space<vmem>>) target_semaphore(%run_scoped3A : memref<!tpu.dma_semaphore, #tpu.memory_space<semaphore_mem>>)
        %dma_wait3A_43 = tpu.memref_slice %arg2[%add3A_28] : memref<204800xi32, #tpu.memory_space<hbm>> -> memref<128xi32, #tpu.memory_space<hbm>>
        %dma_wait3A_44 = tpu.memref_slice %arg2[%add3A_28] : memref<204800xi32, #tpu.memory_space<hbm>> -> memref<128xi32, #tpu.memory_space<hbm>>
        tpu.wait_dma2 semaphore(%run_scoped3A : memref<!tpu.dma_semaphore, #tpu.memory_space<semaphore_mem>>) src(%dma_wait3A_44 : memref<128xi32, #tpu.memory_space<hbm>>) dst(%arg12 : memref<128xi32, #tpu.memory_space<vmem>>)
        tpu.yield
      }) : () -> ()
      %dma_start3A = arith.constant 0 : i32
      %dma_start3A_29 = arith.constant 0 : i32
      %dma_start3A_30 = tpu.memref_slice %arg8[%dma_start3A, %dma_start3A_29] : memref<1000000x64xf32, #tpu.memory_space<hbm>> -> memref<1000000x64xf32, #tpu.memory_space<hbm>>
      tpu.enqueue_indirect_dma source(%dma_start3A_30 : memref<1000000x64xf32, #tpu.memory_space<hbm>>) target(%arg13 : memref<128x64xf32, #tpu.memory_space<vmem>>) offsets(%arg12 : memref<128xi32, #tpu.memory_space<vmem>>) semaphore(%arg15 : memref<!tpu.dma_semaphore, #tpu.memory_space<semaphore_mem>>)
      %dma_wait3A = arith.constant 0 : i32
      %dma_wait3A_31 = arith.constant 0 : i32
      %dma_wait3A_32 = tpu.memref_slice %arg8[%dma_wait3A, %dma_wait3A_31] : memref<1000000x64xf32, #tpu.memory_space<hbm>> -> memref<1000000x64xf32, #tpu.memory_space<hbm>>
      tpu.wait_indirect_dma semaphore(%arg15 : memref<!tpu.dma_semaphore, #tpu.memory_space<semaphore_mem>>) src(%dma_wait3A_32 : memref<1000000x64xf32, #tpu.memory_space<hbm>>) dst(%arg13 : memref<128x64xf32, #tpu.memory_space<vmem>>)
      %scan3A_33 = arith.constant 0 : i32
      %scan3A_34 = arith.constant 0 : i32
      %scan3A_35 = arith.constant 8 : i32
      %scan3A_36 = arith.addi %scan3A_34, %scan3A_35 : i32
      %scan3A_37 = arith.constant 1 : i32
      %scan3A_38 = scf.for %scan3A_41 = %scan3A_34 to %scan3A_36 step %scan3A_37 iter_args(%scan3A_42 = %scan3A_33) -> (i32)  : i32 {
        %mul3A_43 = arith.constant 16 : i32
        %mul3A_44 = arith.muli %scan3A_41, %mul3A_43 : i32
        %add3A_45 = vector.broadcast %mul3A_44 : i32 to vector<16xi32>
        %add3A_46 = arith.addi %add3A_45, %iota3A : vector<16xi32>
        %add3A_47 = vector.broadcast %add3A_28 : i32 to vector<16xi32>
        %add3A_48 = arith.addi %add3A_47, %add3A_46 : vector<16xi32>
        %jit3A = arith.constant 200 : i32
        %div3A = vector.broadcast %jit3A : i32 to vector<16xi32>
        %div3A_49 = arith.divsi %add3A_48, %div3A : vector<16xi32>
        %sign3A = arith.constant 0 : i32
        %sign3A_50 = vector.broadcast %sign3A : i32 to vector<16xi32>
        %sign3A_51 = arith.cmpi sgt, %add3A_48, %sign3A_50 : vector<16xi32>
        %sign3A_52 = arith.extui %sign3A_51 : vector<16xi1> to vector<16xi32>
        %sign3A_53 = arith.constant 0 : i32
        %sign3A_54 = vector.broadcast %sign3A_53 : i32 to vector<16xi32>
        %sign3A_55 = arith.cmpi slt, %add3A_48, %sign3A_54 : vector<16xi32>
        %sign3A_56 = arith.extui %sign3A_55 : vector<16xi1> to vector<16xi32>
        %sign3A_57 = arith.subi %sign3A_52, %sign3A_56 : vector<16xi32>
        %sign3A_58 = arith.constant 0 : i32
        %sign3A_59 = arith.cmpi sgt, %jit3A, %sign3A_58 : i32
        %sign3A_60 = arith.extui %sign3A_59 : i1 to i32
        %sign3A_61 = arith.constant 0 : i32
        %sign3A_62 = arith.cmpi slt, %jit3A, %sign3A_61 : i32
        %sign3A_63 = arith.extui %sign3A_62 : i1 to i32
        %sign3A_64 = arith.subi %sign3A_60, %sign3A_63 : i32
        %ne3A = vector.broadcast %sign3A_64 : i32 to vector<16xi32>
        %ne3A_65 = arith.cmpi ne, %sign3A_57, %ne3A : vector<16xi32>
        %rem3A = vector.broadcast %jit3A : i32 to vector<16xi32>
        %rem3A_66 = arith.remsi %add3A_48, %rem3A : vector<16xi32>
        %ne3A_67 = arith.constant 0 : i32
        %ne3A_68 = vector.broadcast %ne3A_67 : i32 to vector<16xi32>
        %ne3A_69 = arith.cmpi ne, %rem3A_66, %ne3A_68 : vector<16xi32>
        %and3A = arith.andi %ne3A_65, %ne3A_69 : vector<16xi1>
        %sub3A = arith.constant 1 : i32
        %sub3A_70 = vector.broadcast %sub3A : i32 to vector<16xi32>
        %sub3A_71 = arith.subi %div3A_49, %sub3A_70 : vector<16xi32>
        %select_n3A = arith.select %and3A, %sub3A_71, %div3A_49 : vector<16xi1>, vector<16xi32>
        %mul3A_72 = arith.constant 200 : i32
        %mul3A_73 = vector.broadcast %mul3A_72 : i32 to vector<16xi32>
        %mul3A_74 = arith.muli %select_n3A, %mul3A_73 : vector<16xi32>
        %sub3A_75 = arith.subi %add3A_48, %mul3A_74 : vector<16xi32>
        %gather3A = tpu.vector_load_idx %arg14[%select_n3A] : memref<1024xi32, #tpu.memory_space<vmem>>[vector<16xi32>], vector<16xi32>,
        %ge3A = arith.cmpi sge, %sub3A_75, %gather3A : vector<16xi32>
        %reduce_or3A = arith.constant 1.000000e+00 : f32
        %reduce_or3A_76 = arith.constant 0.000000e+00 : f32
        %reduce_or3A_77 = vector.broadcast %reduce_or3A : f32 to vector<16xf32>
        %reduce_or3A_78 = vector.broadcast %reduce_or3A_76 : f32 to vector<16xf32>
        %reduce_or3A_79 = arith.select %ge3A, %reduce_or3A_77, %reduce_or3A_78 : vector<16xi1>, vector<16xf32>
        %reduce_or3A_80 = arith.constant true
        %reduce_or3A_81 = vector.broadcast %reduce_or3A_80 : i1 to vector<16xi1>
        %reduce_or3A_82 = tpu.scan <max>, %reduce_or3A_79 masked %reduce_or3A_81 : vector<16xf32>, vector<16xi1> -> vector<16xf32>
        %reduce_or3A_83 = vector.extract %reduce_or3A_82[15] : f32 from vector<16xf32>
        %reduce_or3A_84 = arith.constant 0.000000e+00 : f32
        %reduce_or3A_85 = arith.cmpf ogt, %reduce_or3A_83, %reduce_or3A_84 : f32
        %convert_element_type3A = arith.extui %reduce_or3A_85 : i1 to i32
        %cond3A = arith.constant 0 : i32
        %cond3A_86 = arith.cmpi ne, %convert_element_type3A, %cond3A : i32
        scf.if %cond3A_86 {
          %broadcast_in_dim3A_88 = arith.constant 0 : i32
          %broadcast_in_dim3A_89 = vector.broadcast %broadcast_in_dim3A_88 : i32 to vector<16xi32>
          tpu.vector_store_idx %arg13[%add3A_46, %broadcast_in_dim3A_89], %broadcast_in_dim3A_3 masked %ge3A : memref<128x64xf32, #tpu.memory_space<vmem>>[vector<16xi32>, vector<16xi32>], vector<16xf32>, vector<16xi1>
          %broadcast_in_dim3A_90 = arith.constant 1 : i32
          %broadcast_in_dim3A_91 = vector.broadcast %broadcast_in_dim3A_90 : i32 to vector<16xi32>
          tpu.vector_store_idx %arg13[%add3A_46, %broadcast_in_dim3A_91], %broadcast_in_dim3A_3 masked %ge3A : memref<128x64xf32, #tpu.memory_space<vmem>>[vector<16xi32>, vector<16xi32>], vector<16xf32>, vector<16xi1>
          %broadcast_in_dim3A_92 = arith.constant 2 : i32
          %broadcast_in_dim3A_93 = vector.broadcast %broadcast_in_dim3A_92 : i32 to vector<16xi32>
          tpu.vector_store_idx %arg13[%add3A_46, %broadcast_in_dim3A_93], %broadcast_in_dim3A_3 masked %ge3A : memref<128x64xf32, #tpu.memory_space<vmem>>[vector<16xi32>, vector<16xi32>], vector<16xf32>, vector<16xi1>
          %broadcast_in_dim3A_94 = arith.constant 3 : i32
          %broadcast_in_dim3A_95 = vector.broadcast %broadcast_in_dim3A_94 : i32 to vector<16xi32>
          tpu.vector_store_idx %arg13[%add3A_46, %broadcast_in_dim3A_95], %broadcast_in_dim3A_3 masked %ge3A : memref<128x64xf32, #tpu.memory_space<vmem>>[vector<16xi32>, vector<16xi32>], vector<16xf32>, vector<16xi1>
          %broadcast_in_dim3A_96 = arith.constant 4 : i32
          %broadcast_in_dim3A_97 = vector.broadcast %broadcast_in_dim3A_96 : i32 to vector<16xi32>
          tpu.vector_store_idx %arg13[%add3A_46, %broadcast_in_dim3A_97], %broadcast_in_dim3A_3 masked %ge3A : memref<128x64xf32, #tpu.memory_space<vmem>>[vector<16xi32>, vector<16xi32>], vector<16xf32>, vector<16xi1>
          %broadcast_in_dim3A_98 = arith.constant 5 : i32
          %broadcast_in_dim3A_99 = vector.broadcast %broadcast_in_dim3A_98 : i32 to vector<16xi32>
          tpu.vector_store_idx %arg13[%add3A_46, %broadcast_in_dim3A_99], %broadcast_in_dim3A_3 masked %ge3A : memref<128x64xf32, #tpu.memory_space<vmem>>[vector<16xi32>, vector<16xi32>], vector<16xf32>, vector<16xi1>
          %broadcast_in_dim3A_100 = arith.constant 6 : i32
          %broadcast_in_dim3A_101 = vector.broadcast %broadcast_in_dim3A_100 : i32 to vector<16xi32>
          tpu.vector_store_idx %arg13[%add3A_46, %broadcast_in_dim3A_101], %broadcast_in_dim3A_3 masked %ge3A : memref<128x64xf32, #tpu.memory_space<vmem>>[vector<16xi32>, vector<16xi32>], vector<16xf32>, vector<16xi1>
          %broadcast_in_dim3A_102 = arith.constant 7 : i32
          %broadcast_in_dim3A_103 = vector.broadcast %broadcast_in_dim3A_102 : i32 to vector<16xi32>
          tpu.vector_store_idx %arg13[%add3A_46, %broadcast_in_dim3A_103], %broadcast_in_dim3A_3 masked %ge3A : memref<128x64xf32, #tpu.memory_space<vmem>>[vector<16xi32>, vector<16xi32>], vector<16xf32>, vector<16xi1>
          %broadcast_in_dim3A_104 = arith.constant 8 : i32
          %broadcast_in_dim3A_105 = vector.broadcast %broadcast_in_dim3A_104 : i32 to vector<16xi32>
          tpu.vector_store_idx %arg13[%add3A_46, %broadcast_in_dim3A_105], %broadcast_in_dim3A_3 masked %ge3A : memref<128x64xf32, #tpu.memory_space<vmem>>[vector<16xi32>, vector<16xi32>], vector<16xf32>, vector<16xi1>
          %broadcast_in_dim3A_106 = arith.constant 9 : i32
          %broadcast_in_dim3A_107 = vector.broadcast %broadcast_in_dim3A_106 : i32 to vector<16xi32>
          tpu.vector_store_idx %arg13[%add3A_46, %broadcast_in_dim3A_107], %broadcast_in_dim3A_3 masked %ge3A : memref<128x64xf32, #tpu.memory_space<vmem>>[vector<16xi32>, vector<16xi32>], vector<16xf32>, vector<16xi1>
          %broadcast_in_dim3A_108 = arith.constant 10 : i32
          %broadcast_in_dim3A_109 = vector.broadcast %broadcast_in_dim3A_108 : i32 to vector<16xi32>
          tpu.vector_store_idx %arg13[%add3A_46, %broadcast_in_dim3A_109], %broadcast_in_dim3A_3 masked %ge3A : memref<128x64xf32, #tpu.memory_space<vmem>>[vector<16xi32>, vector<16xi32>], vector<16xf32>, vector<16xi1>
          %broadcast_in_dim3A_110 = arith.constant 11 : i32
          %broadcast_in_dim3A_111 = vector.broadcast %broadcast_in_dim3A_110 : i32 to vector<16xi32>
          tpu.vector_store_idx %arg13[%add3A_46, %broadcast_in_dim3A_111], %broadcast_in_dim3A_3 masked %ge3A : memref<128x64xf32, #tpu.memory_space<vmem>>[vector<16xi32>, vector<16xi32>], vector<16xf32>, vector<16xi1>
          %broadcast_in_dim3A_112 = arith.constant 12 : i32
          %broadcast_in_dim3A_113 = vector.broadcast %broadcast_in_dim3A_112 : i32 to vector<16xi32>
          tpu.vector_store_idx %arg13[%add3A_46, %broadcast_in_dim3A_113], %broadcast_in_dim3A_3 masked %ge3A : memref<128x64xf32, #tpu.memory_space<vmem>>[vector<16xi32>, vector<16xi32>], vector<16xf32>, vector<16xi1>
          %broadcast_in_dim3A_114 = arith.constant 13 : i32
          %broadcast_in_dim3A_115 = vector.broadcast %broadcast_in_dim3A_114 : i32 to vector<16xi32>
          tpu.vector_store_idx %arg13[%add3A_46, %broadcast_in_dim3A_115], %broadcast_in_dim3A_3 masked %ge3A : memref<128x64xf32, #tpu.memory_space<vmem>>[vector<16xi32>, vector<16xi32>], vector<16xf32>, vector<16xi1>
          %broadcast_in_dim3A_116 = arith.constant 14 : i32
          %broadcast_in_dim3A_117 = vector.broadcast %broadcast_in_dim3A_116 : i32 to vector<16xi32>
          tpu.vector_store_idx %arg13[%add3A_46, %broadcast_in_dim3A_117], %broadcast_in_dim3A_3 masked %ge3A : memref<128x64xf32, #tpu.memory_space<vmem>>[vector<16xi32>, vector<16xi32>], vector<16xf32>, vector<16xi1>
          %broadcast_in_dim3A_118 = arith.constant 15 : i32
          %broadcast_in_dim3A_119 = vector.broadcast %broadcast_in_dim3A_118 : i32 to vector<16xi32>
          tpu.vector_store_idx %arg13[%add3A_46, %broadcast_in_dim3A_119], %broadcast_in_dim3A_3 masked %ge3A : memref<128x64xf32, #tpu.memory_space<vmem>>[vector<16xi32>, vector<16xi32>], vector<16xf32>, vector<16xi1>
          %broadcast_in_dim3A_120 = arith.constant 16 : i32
          %broadcast_in_dim3A_121 = vector.broadcast %broadcast_in_dim3A_120 : i32 to vector<16xi32>
          tpu.vector_store_idx %arg13[%add3A_46, %broadcast_in_dim3A_121], %broadcast_in_dim3A_3 masked %ge3A : memref<128x64xf32, #tpu.memory_space<vmem>>[vector<16xi32>, vector<16xi32>], vector<16xf32>, vector<16xi1>
          %broadcast_in_dim3A_122 = arith.constant 17 : i32
          %broadcast_in_dim3A_123 = vector.broadcast %broadcast_in_dim3A_122 : i32 to vector<16xi32>
          tpu.vector_store_idx %arg13[%add3A_46, %broadcast_in_dim3A_123], %broadcast_in_dim3A_3 masked %ge3A : memref<128x64xf32, #tpu.memory_space<vmem>>[vector<16xi32>, vector<16xi32>], vector<16xf32>, vector<16xi1>
          %broadcast_in_dim3A_124 = arith.constant 18 : i32
          %broadcast_in_dim3A_125 = vector.broadcast %broadcast_in_dim3A_124 : i32 to vector<16xi32>
          tpu.vector_store_idx %arg13[%add3A_46, %broadcast_in_dim3A_125], %broadcast_in_dim3A_3 masked %ge3A : memref<128x64xf32, #tpu.memory_space<vmem>>[vector<16xi32>, vector<16xi32>], vector<16xf32>, vector<16xi1>
          %broadcast_in_dim3A_126 = arith.constant 19 : i32
          %broadcast_in_dim3A_127 = vector.broadcast %broadcast_in_dim3A_126 : i32 to vector<16xi32>
          tpu.vector_store_idx %arg13[%add3A_46, %broadcast_in_dim3A_127], %broadcast_in_dim3A_3 masked %ge3A : memref<128x64xf32, #tpu.memory_space<vmem>>[vector<16xi32>, vector<16xi32>], vector<16xf32>, vector<16xi1>
          %broadcast_in_dim3A_128 = arith.constant 20 : i32
          %broadcast_in_dim3A_129 = vector.broadcast %broadcast_in_dim3A_128 : i32 to vector<16xi32>
          tpu.vector_store_idx %arg13[%add3A_46, %broadcast_in_dim3A_129], %broadcast_in_dim3A_3 masked %ge3A : memref<128x64xf32, #tpu.memory_space<vmem>>[vector<16xi32>, vector<16xi32>], vector<16xf32>, vector<16xi1>
          %broadcast_in_dim3A_130 = arith.constant 21 : i32
          %broadcast_in_dim3A_131 = vector.broadcast %broadcast_in_dim3A_130 : i32 to vector<16xi32>
          tpu.vector_store_idx %arg13[%add3A_46, %broadcast_in_dim3A_131], %broadcast_in_dim3A_3 masked %ge3A : memref<128x64xf32, #tpu.memory_space<vmem>>[vector<16xi32>, vector<16xi32>], vector<16xf32>, vector<16xi1>
          %broadcast_in_dim3A_132 = arith.constant 22 : i32
          %broadcast_in_dim3A_133 = vector.broadcast %broadcast_in_dim3A_132 : i32 to vector<16xi32>
          tpu.vector_store_idx %arg13[%add3A_46, %broadcast_in_dim3A_133], %broadcast_in_dim3A_3 masked %ge3A : memref<128x64xf32, #tpu.memory_space<vmem>>[vector<16xi32>, vector<16xi32>], vector<16xf32>, vector<16xi1>
          %broadcast_in_dim3A_134 = arith.constant 23 : i32
          %broadcast_in_dim3A_135 = vector.broadcast %broadcast_in_dim3A_134 : i32 to vector<16xi32>
          tpu.vector_store_idx %arg13[%add3A_46, %broadcast_in_dim3A_135], %broadcast_in_dim3A_3 masked %ge3A : memref<128x64xf32, #tpu.memory_space<vmem>>[vector<16xi32>, vector<16xi32>], vector<16xf32>, vector<16xi1>
          %broadcast_in_dim3A_136 = arith.constant 24 : i32
          %broadcast_in_dim3A_137 = vector.broadcast %broadcast_in_dim3A_136 : i32 to vector<16xi32>
          tpu.vector_store_idx %arg13[%add3A_46, %broadcast_in_dim3A_137], %broadcast_in_dim3A_3 masked %ge3A : memref<128x64xf32, #tpu.memory_space<vmem>>[vector<16xi32>, vector<16xi32>], vector<16xf32>, vector<16xi1>
          %broadcast_in_dim3A_138 = arith.constant 25 : i32
          %broadcast_in_dim3A_139 = vector.broadcast %broadcast_in_dim3A_138 : i32 to vector<16xi32>
          tpu.vector_store_idx %arg13[%add3A_46, %broadcast_in_dim3A_139], %broadcast_in_dim3A_3 masked %ge3A : memref<128x64xf32, #tpu.memory_space<vmem>>[vector<16xi32>, vector<16xi32>], vector<16xf32>, vector<16xi1>
          %broadcast_in_dim3A_140 = arith.constant 26 : i32
          %broadcast_in_dim3A_141 = vector.broadcast %broadcast_in_dim3A_140 : i32 to vector<16xi32>
          tpu.vector_store_idx %arg13[%add3A_46, %broadcast_in_dim3A_141], %broadcast_in_dim3A_3 masked %ge3A : memref<128x64xf32, #tpu.memory_space<vmem>>[vector<16xi32>, vector<16xi32>], vector<16xf32>, vector<16xi1>
          %broadcast_in_dim3A_142 = arith.constant 27 : i32
          %broadcast_in_dim3A_143 = vector.broadcast %broadcast_in_dim3A_142 : i32 to vector<16xi32>
          tpu.vector_store_idx %arg13[%add3A_46, %broadcast_in_dim3A_143], %broadcast_in_dim3A_3 masked %ge3A : memref<128x64xf32, #tpu.memory_space<vmem>>[vector<16xi32>, vector<16xi32>], vector<16xf32>, vector<16xi1>
          %broadcast_in_dim3A_144 = arith.constant 28 : i32
          %broadcast_in_dim3A_145 = vector.broadcast %broadcast_in_dim3A_144 : i32 to vector<16xi32>
          tpu.vector_store_idx %arg13[%add3A_46, %broadcast_in_dim3A_145], %broadcast_in_dim3A_3 masked %ge3A : memref<128x64xf32, #tpu.memory_space<vmem>>[vector<16xi32>, vector<16xi32>], vector<16xf32>, vector<16xi1>
          %broadcast_in_dim3A_146 = arith.constant 29 : i32
          %broadcast_in_dim3A_147 = vector.broadcast %broadcast_in_dim3A_146 : i32 to vector<16xi32>
          tpu.vector_store_idx %arg13[%add3A_46, %broadcast_in_dim3A_147], %broadcast_in_dim3A_3 masked %ge3A : memref<128x64xf32, #tpu.memory_space<vmem>>[vector<16xi32>, vector<16xi32>], vector<16xf32>, vector<16xi1>
          %broadcast_in_dim3A_148 = arith.constant 30 : i32
          %broadcast_in_dim3A_149 = vector.broadcast %broadcast_in_dim3A_148 : i32 to vector<16xi32>
          tpu.vector_store_idx %arg13[%add3A_46, %broadcast_in_dim3A_149], %broadcast_in_dim3A_3 masked %ge3A : memref<128x64xf32, #tpu.memory_space<vmem>>[vector<16xi32>, vector<16xi32>], vector<16xf32>, vector<16xi1>
          %broadcast_in_dim3A_150 = arith.constant 31 : i32
          %broadcast_in_dim3A_151 = vector.broadcast %broadcast_in_dim3A_150 : i32 to vector<16xi32>
          tpu.vector_store_idx %arg13[%add3A_46, %broadcast_in_dim3A_151], %broadcast_in_dim3A_3 masked %ge3A : memref<128x64xf32, #tpu.memory_space<vmem>>[vector<16xi32>, vector<16xi32>], vector<16xf32>, vector<16xi1>
          %broadcast_in_dim3A_152 = arith.constant 32 : i32
          %broadcast_in_dim3A_153 = vector.broadcast %broadcast_in_dim3A_152 : i32 to vector<16xi32>
          tpu.vector_store_idx %arg13[%add3A_46, %broadcast_in_dim3A_153], %broadcast_in_dim3A_3 masked %ge3A : memref<128x64xf32, #tpu.memory_space<vmem>>[vector<16xi32>, vector<16xi32>], vector<16xf32>, vector<16xi1>
          %broadcast_in_dim3A_154 = arith.constant 33 : i32
          %broadcast_in_dim3A_155 = vector.broadcast %broadcast_in_dim3A_154 : i32 to vector<16xi32>
          tpu.vector_store_idx %arg13[%add3A_46, %broadcast_in_dim3A_155], %broadcast_in_dim3A_3 masked %ge3A : memref<128x64xf32, #tpu.memory_space<vmem>>[vector<16xi32>, vector<16xi32>], vector<16xf32>, vector<16xi1>
          %broadcast_in_dim3A_156 = arith.constant 34 : i32
          %broadcast_in_dim3A_157 = vector.broadcast %broadcast_in_dim3A_156 : i32 to vector<16xi32>
          tpu.vector_store_idx %arg13[%add3A_46, %broadcast_in_dim3A_157], %broadcast_in_dim3A_3 masked %ge3A : memref<128x64xf32, #tpu.memory_space<vmem>>[vector<16xi32>, vector<16xi32>], vector<16xf32>, vector<16xi1>
          %broadcast_in_dim3A_158 = arith.constant 35 : i32
          %broadcast_in_dim3A_159 = vector.broadcast %broadcast_in_dim3A_158 : i32 to vector<16xi32>
          tpu.vector_store_idx %arg13[%add3A_46, %broadcast_in_dim3A_159], %broadcast_in_dim3A_3 masked %ge3A : memref<128x64xf32, #tpu.memory_space<vmem>>[vector<16xi32>, vector<16xi32>], vector<16xf32>, vector<16xi1>
          %broadcast_in_dim3A_160 = arith.constant 36 : i32
          %broadcast_in_dim3A_161 = vector.broadcast %broadcast_in_dim3A_160 : i32 to vector<16xi32>
          tpu.vector_store_idx %arg13[%add3A_46, %broadcast_in_dim3A_161], %broadcast_in_dim3A_3 masked %ge3A : memref<128x64xf32, #tpu.memory_space<vmem>>[vector<16xi32>, vector<16xi32>], vector<16xf32>, vector<16xi1>
          %broadcast_in_dim3A_162 = arith.constant 37 : i32
          %broadcast_in_dim3A_163 = vector.broadcast %broadcast_in_dim3A_162 : i32 to vector<16xi32>
          tpu.vector_store_idx %arg13[%add3A_46, %broadcast_in_dim3A_163], %broadcast_in_dim3A_3 masked %ge3A : memref<128x64xf32, #tpu.memory_space<vmem>>[vector<16xi32>, vector<16xi32>], vector<16xf32>, vector<16xi1>
          %broadcast_in_dim3A_164 = arith.constant 38 : i32
          %broadcast_in_dim3A_165 = vector.broadcast %broadcast_in_dim3A_164 : i32 to vector<16xi32>
          tpu.vector_store_idx %arg13[%add3A_46, %broadcast_in_dim3A_165], %broadcast_in_dim3A_3 masked %ge3A : memref<128x64xf32, #tpu.memory_space<vmem>>[vector<16xi32>, vector<16xi32>], vector<16xf32>, vector<16xi1>
          %broadcast_in_dim3A_166 = arith.constant 39 : i32
          %broadcast_in_dim3A_167 = vector.broadcast %broadcast_in_dim3A_166 : i32 to vector<16xi32>
          tpu.vector_store_idx %arg13[%add3A_46, %broadcast_in_dim3A_167], %broadcast_in_dim3A_3 masked %ge3A : memref<128x64xf32, #tpu.memory_space<vmem>>[vector<16xi32>, vector<16xi32>], vector<16xf32>, vector<16xi1>
          %broadcast_in_dim3A_168 = arith.constant 40 : i32
          %broadcast_in_dim3A_169 = vector.broadcast %broadcast_in_dim3A_168 : i32 to vector<16xi32>
          tpu.vector_store_idx %arg13[%add3A_46, %broadcast_in_dim3A_169], %broadcast_in_dim3A_3 masked %ge3A : memref<128x64xf32, #tpu.memory_space<vmem>>[vector<16xi32>, vector<16xi32>], vector<16xf32>, vector<16xi1>
          %broadcast_in_dim3A_170 = arith.constant 41 : i32
          %broadcast_in_dim3A_171 = vector.broadcast %broadcast_in_dim3A_170 : i32 to vector<16xi32>
          tpu.vector_store_idx %arg13[%add3A_46, %broadcast_in_dim3A_171], %broadcast_in_dim3A_3 masked %ge3A : memref<128x64xf32, #tpu.memory_space<vmem>>[vector<16xi32>, vector<16xi32>], vector<16xf32>, vector<16xi1>
          %broadcast_in_dim3A_172 = arith.constant 42 : i32
          %broadcast_in_dim3A_173 = vector.broadcast %broadcast_in_dim3A_172 : i32 to vector<16xi32>
          tpu.vector_store_idx %arg13[%add3A_46, %broadcast_in_dim3A_173], %broadcast_in_dim3A_3 masked %ge3A : memref<128x64xf32, #tpu.memory_space<vmem>>[vector<16xi32>, vector<16xi32>], vector<16xf32>, vector<16xi1>
          %broadcast_in_dim3A_174 = arith.constant 43 : i32
          %broadcast_in_dim3A_175 = vector.broadcast %broadcast_in_dim3A_174 : i32 to vector<16xi32>
          tpu.vector_store_idx %arg13[%add3A_46, %broadcast_in_dim3A_175], %broadcast_in_dim3A_3 masked %ge3A : memref<128x64xf32, #tpu.memory_space<vmem>>[vector<16xi32>, vector<16xi32>], vector<16xf32>, vector<16xi1>
          %broadcast_in_dim3A_176 = arith.constant 44 : i32
          %broadcast_in_dim3A_177 = vector.broadcast %broadcast_in_dim3A_176 : i32 to vector<16xi32>
          tpu.vector_store_idx %arg13[%add3A_46, %broadcast_in_dim3A_177], %broadcast_in_dim3A_3 masked %ge3A : memref<128x64xf32, #tpu.memory_space<vmem>>[vector<16xi32>, vector<16xi32>], vector<16xf32>, vector<16xi1>
          %broadcast_in_dim3A_178 = arith.constant 45 : i32
          %broadcast_in_dim3A_179 = vector.broadcast %broadcast_in_dim3A_178 : i32 to vector<16xi32>
          tpu.vector_store_idx %arg13[%add3A_46, %broadcast_in_dim3A_179], %broadcast_in_dim3A_3 masked %ge3A : memref<128x64xf32, #tpu.memory_space<vmem>>[vector<16xi32>, vector<16xi32>], vector<16xf32>, vector<16xi1>
          %broadcast_in_dim3A_180 = arith.constant 46 : i32
          %broadcast_in_dim3A_181 = vector.broadcast %broadcast_in_dim3A_180 : i32 to vector<16xi32>
          tpu.vector_store_idx %arg13[%add3A_46, %broadcast_in_dim3A_181], %broadcast_in_dim3A_3 masked %ge3A : memref<128x64xf32, #tpu.memory_space<vmem>>[vector<16xi32>, vector<16xi32>], vector<16xf32>, vector<16xi1>
          %broadcast_in_dim3A_182 = arith.constant 47 : i32
          %broadcast_in_dim3A_183 = vector.broadcast %broadcast_in_dim3A_182 : i32 to vector<16xi32>
          tpu.vector_store_idx %arg13[%add3A_46, %broadcast_in_dim3A_183], %broadcast_in_dim3A_3 masked %ge3A : memref<128x64xf32, #tpu.memory_space<vmem>>[vector<16xi32>, vector<16xi32>], vector<16xf32>, vector<16xi1>
          %broadcast_in_dim3A_184 = arith.constant 48 : i32
          %broadcast_in_dim3A_185 = vector.broadcast %broadcast_in_dim3A_184 : i32 to vector<16xi32>
          tpu.vector_store_idx %arg13[%add3A_46, %broadcast_in_dim3A_185], %broadcast_in_dim3A_3 masked %ge3A : memref<128x64xf32, #tpu.memory_space<vmem>>[vector<16xi32>, vector<16xi32>], vector<16xf32>, vector<16xi1>
          %broadcast_in_dim3A_186 = arith.constant 49 : i32
          %broadcast_in_dim3A_187 = vector.broadcast %broadcast_in_dim3A_186 : i32 to vector<16xi32>
          tpu.vector_store_idx %arg13[%add3A_46, %broadcast_in_dim3A_187], %broadcast_in_dim3A_3 masked %ge3A : memref<128x64xf32, #tpu.memory_space<vmem>>[vector<16xi32>, vector<16xi32>], vector<16xf32>, vector<16xi1>
          %broadcast_in_dim3A_188 = arith.constant 50 : i32
          %broadcast_in_dim3A_189 = vector.broadcast %broadcast_in_dim3A_188 : i32 to vector<16xi32>
          tpu.vector_store_idx %arg13[%add3A_46, %broadcast_in_dim3A_189], %broadcast_in_dim3A_3 masked %ge3A : memref<128x64xf32, #tpu.memory_space<vmem>>[vector<16xi32>, vector<16xi32>], vector<16xf32>, vector<16xi1>
          %broadcast_in_dim3A_190 = arith.constant 51 : i32
          %broadcast_in_dim3A_191 = vector.broadcast %broadcast_in_dim3A_190 : i32 to vector<16xi32>
          tpu.vector_store_idx %arg13[%add3A_46, %broadcast_in_dim3A_191], %broadcast_in_dim3A_3 masked %ge3A : memref<128x64xf32, #tpu.memory_space<vmem>>[vector<16xi32>, vector<16xi32>], vector<16xf32>, vector<16xi1>
          %broadcast_in_dim3A_192 = arith.constant 52 : i32
          %broadcast_in_dim3A_193 = vector.broadcast %broadcast_in_dim3A_192 : i32 to vector<16xi32>
          tpu.vector_store_idx %arg13[%add3A_46, %broadcast_in_dim3A_193], %broadcast_in_dim3A_3 masked %ge3A : memref<128x64xf32, #tpu.memory_space<vmem>>[vector<16xi32>, vector<16xi32>], vector<16xf32>, vector<16xi1>
          %broadcast_in_dim3A_194 = arith.constant 53 : i32
          %broadcast_in_dim3A_195 = vector.broadcast %broadcast_in_dim3A_194 : i32 to vector<16xi32>
          tpu.vector_store_idx %arg13[%add3A_46, %broadcast_in_dim3A_195], %broadcast_in_dim3A_3 masked %ge3A : memref<128x64xf32, #tpu.memory_space<vmem>>[vector<16xi32>, vector<16xi32>], vector<16xf32>, vector<16xi1>
          %broadcast_in_dim3A_196 = arith.constant 54 : i32
          %broadcast_in_dim3A_197 = vector.broadcast %broadcast_in_dim3A_196 : i32 to vector<16xi32>
          tpu.vector_store_idx %arg13[%add3A_46, %broadcast_in_dim3A_197], %broadcast_in_dim3A_3 masked %ge3A : memref<128x64xf32, #tpu.memory_space<vmem>>[vector<16xi32>, vector<16xi32>], vector<16xf32>, vector<16xi1>
          %broadcast_in_dim3A_198 = arith.constant 55 : i32
          %broadcast_in_dim3A_199 = vector.broadcast %broadcast_in_dim3A_198 : i32 to vector<16xi32>
          tpu.vector_store_idx %arg13[%add3A_46, %broadcast_in_dim3A_199], %broadcast_in_dim3A_3 masked %ge3A : memref<128x64xf32, #tpu.memory_space<vmem>>[vector<16xi32>, vector<16xi32>], vector<16xf32>, vector<16xi1>
          %broadcast_in_dim3A_200 = arith.constant 56 : i32
          %broadcast_in_dim3A_201 = vector.broadcast %broadcast_in_dim3A_200 : i32 to vector<16xi32>
          tpu.vector_store_idx %arg13[%add3A_46, %broadcast_in_dim3A_201], %broadcast_in_dim3A_3 masked %ge3A : memref<128x64xf32, #tpu.memory_space<vmem>>[vector<16xi32>, vector<16xi32>], vector<16xf32>, vector<16xi1>
          %broadcast_in_dim3A_202 = arith.constant 57 : i32
          %broadcast_in_dim3A_203 = vector.broadcast %broadcast_in_dim3A_202 : i32 to vector<16xi32>
          tpu.vector_store_idx %arg13[%add3A_46, %broadcast_in_dim3A_203], %broadcast_in_dim3A_3 masked %ge3A : memref<128x64xf32, #tpu.memory_space<vmem>>[vector<16xi32>, vector<16xi32>], vector<16xf32>, vector<16xi1>
          %broadcast_in_dim3A_204 = arith.constant 58 : i32
          %broadcast_in_dim3A_205 = vector.broadcast %broadcast_in_dim3A_204 : i32 to vector<16xi32>
          tpu.vector_store_idx %arg13[%add3A_46, %broadcast_in_dim3A_205], %broadcast_in_dim3A_3 masked %ge3A : memref<128x64xf32, #tpu.memory_space<vmem>>[vector<16xi32>, vector<16xi32>], vector<16xf32>, vector<16xi1>
          %broadcast_in_dim3A_206 = arith.constant 59 : i32
          %broadcast_in_dim3A_207 = vector.broadcast %broadcast_in_dim3A_206 : i32 to vector<16xi32>
          tpu.vector_store_idx %arg13[%add3A_46, %broadcast_in_dim3A_207], %broadcast_in_dim3A_3 masked %ge3A : memref<128x64xf32, #tpu.memory_space<vmem>>[vector<16xi32>, vector<16xi32>], vector<16xf32>, vector<16xi1>
          %broadcast_in_dim3A_208 = arith.constant 60 : i32
          %broadcast_in_dim3A_209 = vector.broadcast %broadcast_in_dim3A_208 : i32 to vector<16xi32>
          tpu.vector_store_idx %arg13[%add3A_46, %broadcast_in_dim3A_209], %broadcast_in_dim3A_3 masked %ge3A : memref<128x64xf32, #tpu.memory_space<vmem>>[vector<16xi32>, vector<16xi32>], vector<16xf32>, vector<16xi1>
          %broadcast_in_dim3A_210 = arith.constant 61 : i32
          %broadcast_in_dim3A_211 = vector.broadcast %broadcast_in_dim3A_210 : i32 to vector<16xi32>
          tpu.vector_store_idx %arg13[%add3A_46, %broadcast_in_dim3A_211], %broadcast_in_dim3A_3 masked %ge3A : memref<128x64xf32, #tpu.memory_space<vmem>>[vector<16xi32>, vector<16xi32>], vector<16xf32>, vector<16xi1>
          %broadcast_in_dim3A_212 = arith.constant 62 : i32
          %broadcast_in_dim3A_213 = vector.broadcast %broadcast_in_dim3A_212 : i32 to vector<16xi32>
          tpu.vector_store_idx %arg13[%add3A_46, %broadcast_in_dim3A_213], %broadcast_in_dim3A_3 masked %ge3A : memref<128x64xf32, #tpu.memory_space<vmem>>[vector<16xi32>, vector<16xi32>], vector<16xf32>, vector<16xi1>
          %broadcast_in_dim3A_214 = arith.constant 63 : i32
          %broadcast_in_dim3A_215 = vector.broadcast %broadcast_in_dim3A_214 : i32 to vector<16xi32>
          tpu.vector_store_idx %arg13[%add3A_46, %broadcast_in_dim3A_215], %broadcast_in_dim3A_3 masked %ge3A : memref<128x64xf32, #tpu.memory_space<vmem>>[vector<16xi32>, vector<16xi32>], vector<16xf32>, vector<16xi1>
        } else {
        }
        %scan3A_87 = arith.constant 0 : i32
        scf.yield %scan3A_87 : i32
      }
      %scan3A_39 = arith.constant 8 : i32
      "tpu.region"() ({
        %run_scoped3A = tpu.sem_alloc : memref<!tpu.dma_semaphore, #tpu.memory_space<semaphore_mem>>
        %dma_start3A_41 = arith.constant 0 : i32
        %dma_start3A_42 = tpu.memref_slice %arg9[%add3A_28, %dma_start3A_41] : memref<204800x64xf32, #tpu.memory_space<hbm>> -> memref<128x64xf32, #tpu.memory_space<hbm>>
        %dma_start3A_43 = arith.constant 0 : i32
        %dma_start3A_44 = tpu.memref_slice %arg9[%add3A_28, %dma_start3A_43] : memref<204800x64xf32, #tpu.memory_space<hbm>> -> memref<128x64xf32, #tpu.memory_space<hbm>>
        tpu.enqueue_dma source(%arg13 : memref<128x64xf32, #tpu.memory_space<vmem>>) target(%dma_start3A_44 : memref<128x64xf32, #tpu.memory_space<hbm>>) target_semaphore(%run_scoped3A : memref<!tpu.dma_semaphore, #tpu.memory_space<semaphore_mem>>)
        %dma_wait3A_45 = arith.constant 0 : i32
        %dma_wait3A_46 = tpu.memref_slice %arg9[%add3A_28, %dma_wait3A_45] : memref<204800x64xf32, #tpu.memory_space<hbm>> -> memref<128x64xf32, #tpu.memory_space<hbm>>
        %dma_wait3A_47 = arith.constant 0 : i32
        %dma_wait3A_48 = tpu.memref_slice %arg9[%add3A_28, %dma_wait3A_47] : memref<204800x64xf32, #tpu.memory_space<hbm>> -> memref<128x64xf32, #tpu.memory_space<hbm>>
        tpu.wait_dma2 semaphore(%run_scoped3A : memref<!tpu.dma_semaphore, #tpu.memory_space<semaphore_mem>>) src(%arg13 : memref<128x64xf32, #tpu.memory_space<vmem>>) dst(%dma_wait3A_48 : memref<128x64xf32, #tpu.memory_space<hbm>>)
        tpu.yield
      }) : () -> ()
      %scan3A_40 = arith.constant 0 : i32
      scf.yield %scan3A_40 : i32
    }
    %scan3A_9 = arith.constant 50 : i32
    "tpu.region"() ({
      %run_scoped3A = tpu.sem_alloc : memref<!tpu.dma_semaphore, #tpu.memory_space<semaphore_mem>>
      tpu.enqueue_dma source(%arg6 : memref<1024xi32, #tpu.memory_space<hbm>>) target(%arg14 : memref<1024xi32, #tpu.memory_space<vmem>>) target_semaphore(%run_scoped3A : memref<!tpu.dma_semaphore, #tpu.memory_space<semaphore_mem>>)
      tpu.wait_dma2 semaphore(%run_scoped3A : memref<!tpu.dma_semaphore, #tpu.memory_space<semaphore_mem>>) src(%arg6 : memref<1024xi32, #tpu.memory_space<hbm>>) dst(%arg14 : memref<1024xi32, #tpu.memory_space<vmem>>)
      tpu.yield
    }) : () -> ()
    %scan3A_10 = arith.constant 0 : i32
    %scan3A_11 = arith.constant 0 : i32
    %scan3A_12 = arith.constant 50 : i32
    %scan3A_13 = arith.addi %scan3A_11, %scan3A_12 : i32
    %scan3A_14 = arith.constant 1 : i32
    %scan3A_15 = scf.for %scan3A_24 = %scan3A_11 to %scan3A_13 step %scan3A_14 iter_args(%scan3A_25 = %scan3A_10) -> (i32)  : i32 {
      %mul3A_26 = arith.constant 128 : i32
      %mul3A_27 = arith.muli %scan3A_24, %mul3A_26 : i32
      %add3A_28 = arith.addi %mul3A_2, %mul3A_27 : i32
      "tpu.region"() ({
        %run_scoped3A = tpu.sem_alloc : memref<!tpu.dma_semaphore, #tpu.memory_space<semaphore_mem>>
        %dma_start3A_41 = tpu.memref_slice %arg3[%add3A_28] : memref<204800xi32, #tpu.memory_space<hbm>> -> memref<128xi32, #tpu.memory_space<hbm>>
        %dma_start3A_42 = tpu.memref_slice %arg3[%add3A_28] : memref<204800xi32, #tpu.memory_space<hbm>> -> memref<128xi32, #tpu.memory_space<hbm>>
        tpu.enqueue_dma source(%dma_start3A_42 : memref<128xi32, #tpu.memory_space<hbm>>) target(%arg12 : memref<128xi32, #tpu.memory_space<vmem>>) target_semaphore(%run_scoped3A : memref<!tpu.dma_semaphore, #tpu.memory_space<semaphore_mem>>)
        %dma_wait3A_43 = tpu.memref_slice %arg3[%add3A_28] : memref<204800xi32, #tpu.memory_space<hbm>> -> memref<128xi32, #tpu.memory_space<hbm>>
        %dma_wait3A_44 = tpu.memref_slice %arg3[%add3A_28] : memref<204800xi32, #tpu.memory_space<hbm>> -> memref<128xi32, #tpu.memory_space<hbm>>
        tpu.wait_dma2 semaphore(%run_scoped3A : memref<!tpu.dma_semaphore, #tpu.memory_space<semaphore_mem>>) src(%dma_wait3A_44 : memref<128xi32, #tpu.memory_space<hbm>>) dst(%arg12 : memref<128xi32, #tpu.memory_space<vmem>>)
        tpu.yield
      }) : () -> ()
      %dma_start3A = arith.constant 0 : i32
      %dma_start3A_29 = arith.constant 0 : i32
      %dma_start3A_30 = tpu.memref_slice %arg8[%dma_start3A, %dma_start3A_29] : memref<1000000x64xf32, #tpu.memory_space<hbm>> -> memref<1000000x64xf32, #tpu.memory_space<hbm>>
      tpu.enqueue_indirect_dma source(%dma_start3A_30 : memref<1000000x64xf32, #tpu.memory_space<hbm>>) target(%arg13 : memref<128x64xf32, #tpu.memory_space<vmem>>) offsets(%arg12 : memref<128xi32, #tpu.memory_space<vmem>>) semaphore(%arg15 : memref<!tpu.dma_semaphore, #tpu.memory_space<semaphore_mem>>)
      %dma_wait3A = arith.constant 0 : i32
      %dma_wait3A_31 = arith.constant 0 : i32
      %dma_wait3A_32 = tpu.memref_slice %arg8[%dma_wait3A, %dma_wait3A_31] : memref<1000000x64xf32, #tpu.memory_space<hbm>> -> memref<1000000x64xf32, #tpu.memory_space<hbm>>
      tpu.wait_indirect_dma semaphore(%arg15 : memref<!tpu.dma_semaphore, #tpu.memory_space<semaphore_mem>>) src(%dma_wait3A_32 : memref<1000000x64xf32, #tpu.memory_space<hbm>>) dst(%arg13 : memref<128x64xf32, #tpu.memory_space<vmem>>)
      %scan3A_33 = arith.constant 0 : i32
      %scan3A_34 = arith.constant 0 : i32
      %scan3A_35 = arith.constant 8 : i32
      %scan3A_36 = arith.addi %scan3A_34, %scan3A_35 : i32
      %scan3A_37 = arith.constant 1 : i32
      %scan3A_38 = scf.for %scan3A_41 = %scan3A_34 to %scan3A_36 step %scan3A_37 iter_args(%scan3A_42 = %scan3A_33) -> (i32)  : i32 {
        %mul3A_43 = arith.constant 16 : i32
        %mul3A_44 = arith.muli %scan3A_41, %mul3A_43 : i32
        %add3A_45 = vector.broadcast %mul3A_44 : i32 to vector<16xi32>
        %add3A_46 = arith.addi %add3A_45, %iota3A : vector<16xi32>
        %add3A_47 = vector.broadcast %add3A_28 : i32 to vector<16xi32>
        %add3A_48 = arith.addi %add3A_47, %add3A_46 : vector<16xi32>
        %jit3A = arith.constant 200 : i32
        %div3A = vector.broadcast %jit3A : i32 to vector<16xi32>
        %div3A_49 = arith.divsi %add3A_48, %div3A : vector<16xi32>
        %sign3A = arith.constant 0 : i32
        %sign3A_50 = vector.broadcast %sign3A : i32 to vector<16xi32>
        %sign3A_51 = arith.cmpi sgt, %add3A_48, %sign3A_50 : vector<16xi32>
        %sign3A_52 = arith.extui %sign3A_51 : vector<16xi1> to vector<16xi32>
        %sign3A_53 = arith.constant 0 : i32
        %sign3A_54 = vector.broadcast %sign3A_53 : i32 to vector<16xi32>
        %sign3A_55 = arith.cmpi slt, %add3A_48, %sign3A_54 : vector<16xi32>
        %sign3A_56 = arith.extui %sign3A_55 : vector<16xi1> to vector<16xi32>
        %sign3A_57 = arith.subi %sign3A_52, %sign3A_56 : vector<16xi32>
        %sign3A_58 = arith.constant 0 : i32
        %sign3A_59 = arith.cmpi sgt, %jit3A, %sign3A_58 : i32
        %sign3A_60 = arith.extui %sign3A_59 : i1 to i32
        %sign3A_61 = arith.constant 0 : i32
        %sign3A_62 = arith.cmpi slt, %jit3A, %sign3A_61 : i32
        %sign3A_63 = arith.extui %sign3A_62 : i1 to i32
        %sign3A_64 = arith.subi %sign3A_60, %sign3A_63 : i32
        %ne3A = vector.broadcast %sign3A_64 : i32 to vector<16xi32>
        %ne3A_65 = arith.cmpi ne, %sign3A_57, %ne3A : vector<16xi32>
        %rem3A = vector.broadcast %jit3A : i32 to vector<16xi32>
        %rem3A_66 = arith.remsi %add3A_48, %rem3A : vector<16xi32>
        %ne3A_67 = arith.constant 0 : i32
        %ne3A_68 = vector.broadcast %ne3A_67 : i32 to vector<16xi32>
        %ne3A_69 = arith.cmpi ne, %rem3A_66, %ne3A_68 : vector<16xi32>
        %and3A = arith.andi %ne3A_65, %ne3A_69 : vector<16xi1>
        %sub3A = arith.constant 1 : i32
        %sub3A_70 = vector.broadcast %sub3A : i32 to vector<16xi32>
        %sub3A_71 = arith.subi %div3A_49, %sub3A_70 : vector<16xi32>
        %select_n3A = arith.select %and3A, %sub3A_71, %div3A_49 : vector<16xi1>, vector<16xi32>
        %mul3A_72 = arith.constant 200 : i32
        %mul3A_73 = vector.broadcast %mul3A_72 : i32 to vector<16xi32>
        %mul3A_74 = arith.muli %select_n3A, %mul3A_73 : vector<16xi32>
        %sub3A_75 = arith.subi %add3A_48, %mul3A_74 : vector<16xi32>
        %gather3A = tpu.vector_load_idx %arg14[%select_n3A] : memref<1024xi32, #tpu.memory_space<vmem>>[vector<16xi32>], vector<16xi32>,
        %ge3A = arith.cmpi sge, %sub3A_75, %gather3A : vector<16xi32>
        %reduce_or3A = arith.constant 1.000000e+00 : f32
        %reduce_or3A_76 = arith.constant 0.000000e+00 : f32
        %reduce_or3A_77 = vector.broadcast %reduce_or3A : f32 to vector<16xf32>
        %reduce_or3A_78 = vector.broadcast %reduce_or3A_76 : f32 to vector<16xf32>
        %reduce_or3A_79 = arith.select %ge3A, %reduce_or3A_77, %reduce_or3A_78 : vector<16xi1>, vector<16xf32>
        %reduce_or3A_80 = arith.constant true
        %reduce_or3A_81 = vector.broadcast %reduce_or3A_80 : i1 to vector<16xi1>
        %reduce_or3A_82 = tpu.scan <max>, %reduce_or3A_79 masked %reduce_or3A_81 : vector<16xf32>, vector<16xi1> -> vector<16xf32>
        %reduce_or3A_83 = vector.extract %reduce_or3A_82[15] : f32 from vector<16xf32>
        %reduce_or3A_84 = arith.constant 0.000000e+00 : f32
        %reduce_or3A_85 = arith.cmpf ogt, %reduce_or3A_83, %reduce_or3A_84 : f32
        %convert_element_type3A = arith.extui %reduce_or3A_85 : i1 to i32
        %cond3A = arith.constant 0 : i32
        %cond3A_86 = arith.cmpi ne, %convert_element_type3A, %cond3A : i32
        scf.if %cond3A_86 {
          %broadcast_in_dim3A_88 = arith.constant 0 : i32
          %broadcast_in_dim3A_89 = vector.broadcast %broadcast_in_dim3A_88 : i32 to vector<16xi32>
          tpu.vector_store_idx %arg13[%add3A_46, %broadcast_in_dim3A_89], %broadcast_in_dim3A_3 masked %ge3A : memref<128x64xf32, #tpu.memory_space<vmem>>[vector<16xi32>, vector<16xi32>], vector<16xf32>, vector<16xi1>
          %broadcast_in_dim3A_90 = arith.constant 1 : i32
          %broadcast_in_dim3A_91 = vector.broadcast %broadcast_in_dim3A_90 : i32 to vector<16xi32>
          tpu.vector_store_idx %arg13[%add3A_46, %broadcast_in_dim3A_91], %broadcast_in_dim3A_3 masked %ge3A : memref<128x64xf32, #tpu.memory_space<vmem>>[vector<16xi32>, vector<16xi32>], vector<16xf32>, vector<16xi1>
          %broadcast_in_dim3A_92 = arith.constant 2 : i32
          %broadcast_in_dim3A_93 = vector.broadcast %broadcast_in_dim3A_92 : i32 to vector<16xi32>
          tpu.vector_store_idx %arg13[%add3A_46, %broadcast_in_dim3A_93], %broadcast_in_dim3A_3 masked %ge3A : memref<128x64xf32, #tpu.memory_space<vmem>>[vector<16xi32>, vector<16xi32>], vector<16xf32>, vector<16xi1>
          %broadcast_in_dim3A_94 = arith.constant 3 : i32
          %broadcast_in_dim3A_95 = vector.broadcast %broadcast_in_dim3A_94 : i32 to vector<16xi32>
          tpu.vector_store_idx %arg13[%add3A_46, %broadcast_in_dim3A_95], %broadcast_in_dim3A_3 masked %ge3A : memref<128x64xf32, #tpu.memory_space<vmem>>[vector<16xi32>, vector<16xi32>], vector<16xf32>, vector<16xi1>
          %broadcast_in_dim3A_96 = arith.constant 4 : i32
          %broadcast_in_dim3A_97 = vector.broadcast %broadcast_in_dim3A_96 : i32 to vector<16xi32>
          tpu.vector_store_idx %arg13[%add3A_46, %broadcast_in_dim3A_97], %broadcast_in_dim3A_3 masked %ge3A : memref<128x64xf32, #tpu.memory_space<vmem>>[vector<16xi32>, vector<16xi32>], vector<16xf32>, vector<16xi1>
          %broadcast_in_dim3A_98 = arith.constant 5 : i32
          %broadcast_in_dim3A_99 = vector.broadcast %broadcast_in_dim3A_98 : i32 to vector<16xi32>
          tpu.vector_store_idx %arg13[%add3A_46, %broadcast_in_dim3A_99], %broadcast_in_dim3A_3 masked %ge3A : memref<128x64xf32, #tpu.memory_space<vmem>>[vector<16xi32>, vector<16xi32>], vector<16xf32>, vector<16xi1>
          %broadcast_in_dim3A_100 = arith.constant 6 : i32
          %broadcast_in_dim3A_101 = vector.broadcast %broadcast_in_dim3A_100 : i32 to vector<16xi32>
          tpu.vector_store_idx %arg13[%add3A_46, %broadcast_in_dim3A_101], %broadcast_in_dim3A_3 masked %ge3A : memref<128x64xf32, #tpu.memory_space<vmem>>[vector<16xi32>, vector<16xi32>], vector<16xf32>, vector<16xi1>
          %broadcast_in_dim3A_102 = arith.constant 7 : i32
          %broadcast_in_dim3A_103 = vector.broadcast %broadcast_in_dim3A_102 : i32 to vector<16xi32>
          tpu.vector_store_idx %arg13[%add3A_46, %broadcast_in_dim3A_103], %broadcast_in_dim3A_3 masked %ge3A : memref<128x64xf32, #tpu.memory_space<vmem>>[vector<16xi32>, vector<16xi32>], vector<16xf32>, vector<16xi1>
          %broadcast_in_dim3A_104 = arith.constant 8 : i32
          %broadcast_in_dim3A_105 = vector.broadcast %broadcast_in_dim3A_104 : i32 to vector<16xi32>
          tpu.vector_store_idx %arg13[%add3A_46, %broadcast_in_dim3A_105], %broadcast_in_dim3A_3 masked %ge3A : memref<128x64xf32, #tpu.memory_space<vmem>>[vector<16xi32>, vector<16xi32>], vector<16xf32>, vector<16xi1>
          %broadcast_in_dim3A_106 = arith.constant 9 : i32
          %broadcast_in_dim3A_107 = vector.broadcast %broadcast_in_dim3A_106 : i32 to vector<16xi32>
          tpu.vector_store_idx %arg13[%add3A_46, %broadcast_in_dim3A_107], %broadcast_in_dim3A_3 masked %ge3A : memref<128x64xf32, #tpu.memory_space<vmem>>[vector<16xi32>, vector<16xi32>], vector<16xf32>, vector<16xi1>
          %broadcast_in_dim3A_108 = arith.constant 10 : i32
          %broadcast_in_dim3A_109 = vector.broadcast %broadcast_in_dim3A_108 : i32 to vector<16xi32>
          tpu.vector_store_idx %arg13[%add3A_46, %broadcast_in_dim3A_109], %broadcast_in_dim3A_3 masked %ge3A : memref<128x64xf32, #tpu.memory_space<vmem>>[vector<16xi32>, vector<16xi32>], vector<16xf32>, vector<16xi1>
          %broadcast_in_dim3A_110 = arith.constant 11 : i32
          %broadcast_in_dim3A_111 = vector.broadcast %broadcast_in_dim3A_110 : i32 to vector<16xi32>
          tpu.vector_store_idx %arg13[%add3A_46, %broadcast_in_dim3A_111], %broadcast_in_dim3A_3 masked %ge3A : memref<128x64xf32, #tpu.memory_space<vmem>>[vector<16xi32>, vector<16xi32>], vector<16xf32>, vector<16xi1>
          %broadcast_in_dim3A_112 = arith.constant 12 : i32
          %broadcast_in_dim3A_113 = vector.broadcast %broadcast_in_dim3A_112 : i32 to vector<16xi32>
          tpu.vector_store_idx %arg13[%add3A_46, %broadcast_in_dim3A_113], %broadcast_in_dim3A_3 masked %ge3A : memref<128x64xf32, #tpu.memory_space<vmem>>[vector<16xi32>, vector<16xi32>], vector<16xf32>, vector<16xi1>
          %broadcast_in_dim3A_114 = arith.constant 13 : i32
          %broadcast_in_dim3A_115 = vector.broadcast %broadcast_in_dim3A_114 : i32 to vector<16xi32>
          tpu.vector_store_idx %arg13[%add3A_46, %broadcast_in_dim3A_115], %broadcast_in_dim3A_3 masked %ge3A : memref<128x64xf32, #tpu.memory_space<vmem>>[vector<16xi32>, vector<16xi32>], vector<16xf32>, vector<16xi1>
          %broadcast_in_dim3A_116 = arith.constant 14 : i32
          %broadcast_in_dim3A_117 = vector.broadcast %broadcast_in_dim3A_116 : i32 to vector<16xi32>
          tpu.vector_store_idx %arg13[%add3A_46, %broadcast_in_dim3A_117], %broadcast_in_dim3A_3 masked %ge3A : memref<128x64xf32, #tpu.memory_space<vmem>>[vector<16xi32>, vector<16xi32>], vector<16xf32>, vector<16xi1>
          %broadcast_in_dim3A_118 = arith.constant 15 : i32
          %broadcast_in_dim3A_119 = vector.broadcast %broadcast_in_dim3A_118 : i32 to vector<16xi32>
          tpu.vector_store_idx %arg13[%add3A_46, %broadcast_in_dim3A_119], %broadcast_in_dim3A_3 masked %ge3A : memref<128x64xf32, #tpu.memory_space<vmem>>[vector<16xi32>, vector<16xi32>], vector<16xf32>, vector<16xi1>
          %broadcast_in_dim3A_120 = arith.constant 16 : i32
          %broadcast_in_dim3A_121 = vector.broadcast %broadcast_in_dim3A_120 : i32 to vector<16xi32>
          tpu.vector_store_idx %arg13[%add3A_46, %broadcast_in_dim3A_121], %broadcast_in_dim3A_3 masked %ge3A : memref<128x64xf32, #tpu.memory_space<vmem>>[vector<16xi32>, vector<16xi32>], vector<16xf32>, vector<16xi1>
          %broadcast_in_dim3A_122 = arith.constant 17 : i32
          %broadcast_in_dim3A_123 = vector.broadcast %broadcast_in_dim3A_122 : i32 to vector<16xi32>
          tpu.vector_store_idx %arg13[%add3A_46, %broadcast_in_dim3A_123], %broadcast_in_dim3A_3 masked %ge3A : memref<128x64xf32, #tpu.memory_space<vmem>>[vector<16xi32>, vector<16xi32>], vector<16xf32>, vector<16xi1>
          %broadcast_in_dim3A_124 = arith.constant 18 : i32
          %broadcast_in_dim3A_125 = vector.broadcast %broadcast_in_dim3A_124 : i32 to vector<16xi32>
          tpu.vector_store_idx %arg13[%add3A_46, %broadcast_in_dim3A_125], %broadcast_in_dim3A_3 masked %ge3A : memref<128x64xf32, #tpu.memory_space<vmem>>[vector<16xi32>, vector<16xi32>], vector<16xf32>, vector<16xi1>
          %broadcast_in_dim3A_126 = arith.constant 19 : i32
          %broadcast_in_dim3A_127 = vector.broadcast %broadcast_in_dim3A_126 : i32 to vector<16xi32>
          tpu.vector_store_idx %arg13[%add3A_46, %broadcast_in_dim3A_127], %broadcast_in_dim3A_3 masked %ge3A : memref<128x64xf32, #tpu.memory_space<vmem>>[vector<16xi32>, vector<16xi32>], vector<16xf32>, vector<16xi1>
          %broadcast_in_dim3A_128 = arith.constant 20 : i32
          %broadcast_in_dim3A_129 = vector.broadcast %broadcast_in_dim3A_128 : i32 to vector<16xi32>
          tpu.vector_store_idx %arg13[%add3A_46, %broadcast_in_dim3A_129], %broadcast_in_dim3A_3 masked %ge3A : memref<128x64xf32, #tpu.memory_space<vmem>>[vector<16xi32>, vector<16xi32>], vector<16xf32>, vector<16xi1>
          %broadcast_in_dim3A_130 = arith.constant 21 : i32
          %broadcast_in_dim3A_131 = vector.broadcast %broadcast_in_dim3A_130 : i32 to vector<16xi32>
          tpu.vector_store_idx %arg13[%add3A_46, %broadcast_in_dim3A_131], %broadcast_in_dim3A_3 masked %ge3A : memref<128x64xf32, #tpu.memory_space<vmem>>[vector<16xi32>, vector<16xi32>], vector<16xf32>, vector<16xi1>
          %broadcast_in_dim3A_132 = arith.constant 22 : i32
          %broadcast_in_dim3A_133 = vector.broadcast %broadcast_in_dim3A_132 : i32 to vector<16xi32>
          tpu.vector_store_idx %arg13[%add3A_46, %broadcast_in_dim3A_133], %broadcast_in_dim3A_3 masked %ge3A : memref<128x64xf32, #tpu.memory_space<vmem>>[vector<16xi32>, vector<16xi32>], vector<16xf32>, vector<16xi1>
          %broadcast_in_dim3A_134 = arith.constant 23 : i32
          %broadcast_in_dim3A_135 = vector.broadcast %broadcast_in_dim3A_134 : i32 to vector<16xi32>
          tpu.vector_store_idx %arg13[%add3A_46, %broadcast_in_dim3A_135], %broadcast_in_dim3A_3 masked %ge3A : memref<128x64xf32, #tpu.memory_space<vmem>>[vector<16xi32>, vector<16xi32>], vector<16xf32>, vector<16xi1>
          %broadcast_in_dim3A_136 = arith.constant 24 : i32
          %broadcast_in_dim3A_137 = vector.broadcast %broadcast_in_dim3A_136 : i32 to vector<16xi32>
          tpu.vector_store_idx %arg13[%add3A_46, %broadcast_in_dim3A_137], %broadcast_in_dim3A_3 masked %ge3A : memref<128x64xf32, #tpu.memory_space<vmem>>[vector<16xi32>, vector<16xi32>], vector<16xf32>, vector<16xi1>
          %broadcast_in_dim3A_138 = arith.constant 25 : i32
          %broadcast_in_dim3A_139 = vector.broadcast %broadcast_in_dim3A_138 : i32 to vector<16xi32>
          tpu.vector_store_idx %arg13[%add3A_46, %broadcast_in_dim3A_139], %broadcast_in_dim3A_3 masked %ge3A : memref<128x64xf32, #tpu.memory_space<vmem>>[vector<16xi32>, vector<16xi32>], vector<16xf32>, vector<16xi1>
          %broadcast_in_dim3A_140 = arith.constant 26 : i32
          %broadcast_in_dim3A_141 = vector.broadcast %broadcast_in_dim3A_140 : i32 to vector<16xi32>
          tpu.vector_store_idx %arg13[%add3A_46, %broadcast_in_dim3A_141], %broadcast_in_dim3A_3 masked %ge3A : memref<128x64xf32, #tpu.memory_space<vmem>>[vector<16xi32>, vector<16xi32>], vector<16xf32>, vector<16xi1>
          %broadcast_in_dim3A_142 = arith.constant 27 : i32
          %broadcast_in_dim3A_143 = vector.broadcast %broadcast_in_dim3A_142 : i32 to vector<16xi32>
          tpu.vector_store_idx %arg13[%add3A_46, %broadcast_in_dim3A_143], %broadcast_in_dim3A_3 masked %ge3A : memref<128x64xf32, #tpu.memory_space<vmem>>[vector<16xi32>, vector<16xi32>], vector<16xf32>, vector<16xi1>
          %broadcast_in_dim3A_144 = arith.constant 28 : i32
          %broadcast_in_dim3A_145 = vector.broadcast %broadcast_in_dim3A_144 : i32 to vector<16xi32>
          tpu.vector_store_idx %arg13[%add3A_46, %broadcast_in_dim3A_145], %broadcast_in_dim3A_3 masked %ge3A : memref<128x64xf32, #tpu.memory_space<vmem>>[vector<16xi32>, vector<16xi32>], vector<16xf32>, vector<16xi1>
          %broadcast_in_dim3A_146 = arith.constant 29 : i32
          %broadcast_in_dim3A_147 = vector.broadcast %broadcast_in_dim3A_146 : i32 to vector<16xi32>
          tpu.vector_store_idx %arg13[%add3A_46, %broadcast_in_dim3A_147], %broadcast_in_dim3A_3 masked %ge3A : memref<128x64xf32, #tpu.memory_space<vmem>>[vector<16xi32>, vector<16xi32>], vector<16xf32>, vector<16xi1>
          %broadcast_in_dim3A_148 = arith.constant 30 : i32
          %broadcast_in_dim3A_149 = vector.broadcast %broadcast_in_dim3A_148 : i32 to vector<16xi32>
          tpu.vector_store_idx %arg13[%add3A_46, %broadcast_in_dim3A_149], %broadcast_in_dim3A_3 masked %ge3A : memref<128x64xf32, #tpu.memory_space<vmem>>[vector<16xi32>, vector<16xi32>], vector<16xf32>, vector<16xi1>
          %broadcast_in_dim3A_150 = arith.constant 31 : i32
          %broadcast_in_dim3A_151 = vector.broadcast %broadcast_in_dim3A_150 : i32 to vector<16xi32>
          tpu.vector_store_idx %arg13[%add3A_46, %broadcast_in_dim3A_151], %broadcast_in_dim3A_3 masked %ge3A : memref<128x64xf32, #tpu.memory_space<vmem>>[vector<16xi32>, vector<16xi32>], vector<16xf32>, vector<16xi1>
          %broadcast_in_dim3A_152 = arith.constant 32 : i32
          %broadcast_in_dim3A_153 = vector.broadcast %broadcast_in_dim3A_152 : i32 to vector<16xi32>
          tpu.vector_store_idx %arg13[%add3A_46, %broadcast_in_dim3A_153], %broadcast_in_dim3A_3 masked %ge3A : memref<128x64xf32, #tpu.memory_space<vmem>>[vector<16xi32>, vector<16xi32>], vector<16xf32>, vector<16xi1>
          %broadcast_in_dim3A_154 = arith.constant 33 : i32
          %broadcast_in_dim3A_155 = vector.broadcast %broadcast_in_dim3A_154 : i32 to vector<16xi32>
          tpu.vector_store_idx %arg13[%add3A_46, %broadcast_in_dim3A_155], %broadcast_in_dim3A_3 masked %ge3A : memref<128x64xf32, #tpu.memory_space<vmem>>[vector<16xi32>, vector<16xi32>], vector<16xf32>, vector<16xi1>
          %broadcast_in_dim3A_156 = arith.constant 34 : i32
          %broadcast_in_dim3A_157 = vector.broadcast %broadcast_in_dim3A_156 : i32 to vector<16xi32>
          tpu.vector_store_idx %arg13[%add3A_46, %broadcast_in_dim3A_157], %broadcast_in_dim3A_3 masked %ge3A : memref<128x64xf32, #tpu.memory_space<vmem>>[vector<16xi32>, vector<16xi32>], vector<16xf32>, vector<16xi1>
          %broadcast_in_dim3A_158 = arith.constant 35 : i32
          %broadcast_in_dim3A_159 = vector.broadcast %broadcast_in_dim3A_158 : i32 to vector<16xi32>
          tpu.vector_store_idx %arg13[%add3A_46, %broadcast_in_dim3A_159], %broadcast_in_dim3A_3 masked %ge3A : memref<128x64xf32, #tpu.memory_space<vmem>>[vector<16xi32>, vector<16xi32>], vector<16xf32>, vector<16xi1>
          %broadcast_in_dim3A_160 = arith.constant 36 : i32
          %broadcast_in_dim3A_161 = vector.broadcast %broadcast_in_dim3A_160 : i32 to vector<16xi32>
          tpu.vector_store_idx %arg13[%add3A_46, %broadcast_in_dim3A_161], %broadcast_in_dim3A_3 masked %ge3A : memref<128x64xf32, #tpu.memory_space<vmem>>[vector<16xi32>, vector<16xi32>], vector<16xf32>, vector<16xi1>
          %broadcast_in_dim3A_162 = arith.constant 37 : i32
          %broadcast_in_dim3A_163 = vector.broadcast %broadcast_in_dim3A_162 : i32 to vector<16xi32>
          tpu.vector_store_idx %arg13[%add3A_46, %broadcast_in_dim3A_163], %broadcast_in_dim3A_3 masked %ge3A : memref<128x64xf32, #tpu.memory_space<vmem>>[vector<16xi32>, vector<16xi32>], vector<16xf32>, vector<16xi1>
          %broadcast_in_dim3A_164 = arith.constant 38 : i32
          %broadcast_in_dim3A_165 = vector.broadcast %broadcast_in_dim3A_164 : i32 to vector<16xi32>
          tpu.vector_store_idx %arg13[%add3A_46, %broadcast_in_dim3A_165], %broadcast_in_dim3A_3 masked %ge3A : memref<128x64xf32, #tpu.memory_space<vmem>>[vector<16xi32>, vector<16xi32>], vector<16xf32>, vector<16xi1>
          %broadcast_in_dim3A_166 = arith.constant 39 : i32
          %broadcast_in_dim3A_167 = vector.broadcast %broadcast_in_dim3A_166 : i32 to vector<16xi32>
          tpu.vector_store_idx %arg13[%add3A_46, %broadcast_in_dim3A_167], %broadcast_in_dim3A_3 masked %ge3A : memref<128x64xf32, #tpu.memory_space<vmem>>[vector<16xi32>, vector<16xi32>], vector<16xf32>, vector<16xi1>
          %broadcast_in_dim3A_168 = arith.constant 40 : i32
          %broadcast_in_dim3A_169 = vector.broadcast %broadcast_in_dim3A_168 : i32 to vector<16xi32>
          tpu.vector_store_idx %arg13[%add3A_46, %broadcast_in_dim3A_169], %broadcast_in_dim3A_3 masked %ge3A : memref<128x64xf32, #tpu.memory_space<vmem>>[vector<16xi32>, vector<16xi32>], vector<16xf32>, vector<16xi1>
          %broadcast_in_dim3A_170 = arith.constant 41 : i32
          %broadcast_in_dim3A_171 = vector.broadcast %broadcast_in_dim3A_170 : i32 to vector<16xi32>
          tpu.vector_store_idx %arg13[%add3A_46, %broadcast_in_dim3A_171], %broadcast_in_dim3A_3 masked %ge3A : memref<128x64xf32, #tpu.memory_space<vmem>>[vector<16xi32>, vector<16xi32>], vector<16xf32>, vector<16xi1>
          %broadcast_in_dim3A_172 = arith.constant 42 : i32
          %broadcast_in_dim3A_173 = vector.broadcast %broadcast_in_dim3A_172 : i32 to vector<16xi32>
          tpu.vector_store_idx %arg13[%add3A_46, %broadcast_in_dim3A_173], %broadcast_in_dim3A_3 masked %ge3A : memref<128x64xf32, #tpu.memory_space<vmem>>[vector<16xi32>, vector<16xi32>], vector<16xf32>, vector<16xi1>
          %broadcast_in_dim3A_174 = arith.constant 43 : i32
          %broadcast_in_dim3A_175 = vector.broadcast %broadcast_in_dim3A_174 : i32 to vector<16xi32>
          tpu.vector_store_idx %arg13[%add3A_46, %broadcast_in_dim3A_175], %broadcast_in_dim3A_3 masked %ge3A : memref<128x64xf32, #tpu.memory_space<vmem>>[vector<16xi32>, vector<16xi32>], vector<16xf32>, vector<16xi1>
          %broadcast_in_dim3A_176 = arith.constant 44 : i32
          %broadcast_in_dim3A_177 = vector.broadcast %broadcast_in_dim3A_176 : i32 to vector<16xi32>
          tpu.vector_store_idx %arg13[%add3A_46, %broadcast_in_dim3A_177], %broadcast_in_dim3A_3 masked %ge3A : memref<128x64xf32, #tpu.memory_space<vmem>>[vector<16xi32>, vector<16xi32>], vector<16xf32>, vector<16xi1>
          %broadcast_in_dim3A_178 = arith.constant 45 : i32
          %broadcast_in_dim3A_179 = vector.broadcast %broadcast_in_dim3A_178 : i32 to vector<16xi32>
          tpu.vector_store_idx %arg13[%add3A_46, %broadcast_in_dim3A_179], %broadcast_in_dim3A_3 masked %ge3A : memref<128x64xf32, #tpu.memory_space<vmem>>[vector<16xi32>, vector<16xi32>], vector<16xf32>, vector<16xi1>
          %broadcast_in_dim3A_180 = arith.constant 46 : i32
          %broadcast_in_dim3A_181 = vector.broadcast %broadcast_in_dim3A_180 : i32 to vector<16xi32>
          tpu.vector_store_idx %arg13[%add3A_46, %broadcast_in_dim3A_181], %broadcast_in_dim3A_3 masked %ge3A : memref<128x64xf32, #tpu.memory_space<vmem>>[vector<16xi32>, vector<16xi32>], vector<16xf32>, vector<16xi1>
          %broadcast_in_dim3A_182 = arith.constant 47 : i32
          %broadcast_in_dim3A_183 = vector.broadcast %broadcast_in_dim3A_182 : i32 to vector<16xi32>
          tpu.vector_store_idx %arg13[%add3A_46, %broadcast_in_dim3A_183], %broadcast_in_dim3A_3 masked %ge3A : memref<128x64xf32, #tpu.memory_space<vmem>>[vector<16xi32>, vector<16xi32>], vector<16xf32>, vector<16xi1>
          %broadcast_in_dim3A_184 = arith.constant 48 : i32
          %broadcast_in_dim3A_185 = vector.broadcast %broadcast_in_dim3A_184 : i32 to vector<16xi32>
          tpu.vector_store_idx %arg13[%add3A_46, %broadcast_in_dim3A_185], %broadcast_in_dim3A_3 masked %ge3A : memref<128x64xf32, #tpu.memory_space<vmem>>[vector<16xi32>, vector<16xi32>], vector<16xf32>, vector<16xi1>
          %broadcast_in_dim3A_186 = arith.constant 49 : i32
          %broadcast_in_dim3A_187 = vector.broadcast %broadcast_in_dim3A_186 : i32 to vector<16xi32>
          tpu.vector_store_idx %arg13[%add3A_46, %broadcast_in_dim3A_187], %broadcast_in_dim3A_3 masked %ge3A : memref<128x64xf32, #tpu.memory_space<vmem>>[vector<16xi32>, vector<16xi32>], vector<16xf32>, vector<16xi1>
          %broadcast_in_dim3A_188 = arith.constant 50 : i32
          %broadcast_in_dim3A_189 = vector.broadcast %broadcast_in_dim3A_188 : i32 to vector<16xi32>
          tpu.vector_store_idx %arg13[%add3A_46, %broadcast_in_dim3A_189], %broadcast_in_dim3A_3 masked %ge3A : memref<128x64xf32, #tpu.memory_space<vmem>>[vector<16xi32>, vector<16xi32>], vector<16xf32>, vector<16xi1>
          %broadcast_in_dim3A_190 = arith.constant 51 : i32
          %broadcast_in_dim3A_191 = vector.broadcast %broadcast_in_dim3A_190 : i32 to vector<16xi32>
          tpu.vector_store_idx %arg13[%add3A_46, %broadcast_in_dim3A_191], %broadcast_in_dim3A_3 masked %ge3A : memref<128x64xf32, #tpu.memory_space<vmem>>[vector<16xi32>, vector<16xi32>], vector<16xf32>, vector<16xi1>
          %broadcast_in_dim3A_192 = arith.constant 52 : i32
          %broadcast_in_dim3A_193 = vector.broadcast %broadcast_in_dim3A_192 : i32 to vector<16xi32>
          tpu.vector_store_idx %arg13[%add3A_46, %broadcast_in_dim3A_193], %broadcast_in_dim3A_3 masked %ge3A : memref<128x64xf32, #tpu.memory_space<vmem>>[vector<16xi32>, vector<16xi32>], vector<16xf32>, vector<16xi1>
          %broadcast_in_dim3A_194 = arith.constant 53 : i32
          %broadcast_in_dim3A_195 = vector.broadcast %broadcast_in_dim3A_194 : i32 to vector<16xi32>
          tpu.vector_store_idx %arg13[%add3A_46, %broadcast_in_dim3A_195], %broadcast_in_dim3A_3 masked %ge3A : memref<128x64xf32, #tpu.memory_space<vmem>>[vector<16xi32>, vector<16xi32>], vector<16xf32>, vector<16xi1>
          %broadcast_in_dim3A_196 = arith.constant 54 : i32
          %broadcast_in_dim3A_197 = vector.broadcast %broadcast_in_dim3A_196 : i32 to vector<16xi32>
          tpu.vector_store_idx %arg13[%add3A_46, %broadcast_in_dim3A_197], %broadcast_in_dim3A_3 masked %ge3A : memref<128x64xf32, #tpu.memory_space<vmem>>[vector<16xi32>, vector<16xi32>], vector<16xf32>, vector<16xi1>
          %broadcast_in_dim3A_198 = arith.constant 55 : i32
          %broadcast_in_dim3A_199 = vector.broadcast %broadcast_in_dim3A_198 : i32 to vector<16xi32>
          tpu.vector_store_idx %arg13[%add3A_46, %broadcast_in_dim3A_199], %broadcast_in_dim3A_3 masked %ge3A : memref<128x64xf32, #tpu.memory_space<vmem>>[vector<16xi32>, vector<16xi32>], vector<16xf32>, vector<16xi1>
          %broadcast_in_dim3A_200 = arith.constant 56 : i32
          %broadcast_in_dim3A_201 = vector.broadcast %broadcast_in_dim3A_200 : i32 to vector<16xi32>
          tpu.vector_store_idx %arg13[%add3A_46, %broadcast_in_dim3A_201], %broadcast_in_dim3A_3 masked %ge3A : memref<128x64xf32, #tpu.memory_space<vmem>>[vector<16xi32>, vector<16xi32>], vector<16xf32>, vector<16xi1>
          %broadcast_in_dim3A_202 = arith.constant 57 : i32
          %broadcast_in_dim3A_203 = vector.broadcast %broadcast_in_dim3A_202 : i32 to vector<16xi32>
          tpu.vector_store_idx %arg13[%add3A_46, %broadcast_in_dim3A_203], %broadcast_in_dim3A_3 masked %ge3A : memref<128x64xf32, #tpu.memory_space<vmem>>[vector<16xi32>, vector<16xi32>], vector<16xf32>, vector<16xi1>
          %broadcast_in_dim3A_204 = arith.constant 58 : i32
          %broadcast_in_dim3A_205 = vector.broadcast %broadcast_in_dim3A_204 : i32 to vector<16xi32>
          tpu.vector_store_idx %arg13[%add3A_46, %broadcast_in_dim3A_205], %broadcast_in_dim3A_3 masked %ge3A : memref<128x64xf32, #tpu.memory_space<vmem>>[vector<16xi32>, vector<16xi32>], vector<16xf32>, vector<16xi1>
          %broadcast_in_dim3A_206 = arith.constant 59 : i32
          %broadcast_in_dim3A_207 = vector.broadcast %broadcast_in_dim3A_206 : i32 to vector<16xi32>
          tpu.vector_store_idx %arg13[%add3A_46, %broadcast_in_dim3A_207], %broadcast_in_dim3A_3 masked %ge3A : memref<128x64xf32, #tpu.memory_space<vmem>>[vector<16xi32>, vector<16xi32>], vector<16xf32>, vector<16xi1>
          %broadcast_in_dim3A_208 = arith.constant 60 : i32
          %broadcast_in_dim3A_209 = vector.broadcast %broadcast_in_dim3A_208 : i32 to vector<16xi32>
          tpu.vector_store_idx %arg13[%add3A_46, %broadcast_in_dim3A_209], %broadcast_in_dim3A_3 masked %ge3A : memref<128x64xf32, #tpu.memory_space<vmem>>[vector<16xi32>, vector<16xi32>], vector<16xf32>, vector<16xi1>
          %broadcast_in_dim3A_210 = arith.constant 61 : i32
          %broadcast_in_dim3A_211 = vector.broadcast %broadcast_in_dim3A_210 : i32 to vector<16xi32>
          tpu.vector_store_idx %arg13[%add3A_46, %broadcast_in_dim3A_211], %broadcast_in_dim3A_3 masked %ge3A : memref<128x64xf32, #tpu.memory_space<vmem>>[vector<16xi32>, vector<16xi32>], vector<16xf32>, vector<16xi1>
          %broadcast_in_dim3A_212 = arith.constant 62 : i32
          %broadcast_in_dim3A_213 = vector.broadcast %broadcast_in_dim3A_212 : i32 to vector<16xi32>
          tpu.vector_store_idx %arg13[%add3A_46, %broadcast_in_dim3A_213], %broadcast_in_dim3A_3 masked %ge3A : memref<128x64xf32, #tpu.memory_space<vmem>>[vector<16xi32>, vector<16xi32>], vector<16xf32>, vector<16xi1>
          %broadcast_in_dim3A_214 = arith.constant 63 : i32
          %broadcast_in_dim3A_215 = vector.broadcast %broadcast_in_dim3A_214 : i32 to vector<16xi32>
          tpu.vector_store_idx %arg13[%add3A_46, %broadcast_in_dim3A_215], %broadcast_in_dim3A_3 masked %ge3A : memref<128x64xf32, #tpu.memory_space<vmem>>[vector<16xi32>, vector<16xi32>], vector<16xf32>, vector<16xi1>
        } else {
        }
        %scan3A_87 = arith.constant 0 : i32
        scf.yield %scan3A_87 : i32
      }
      %scan3A_39 = arith.constant 8 : i32
      "tpu.region"() ({
        %run_scoped3A = tpu.sem_alloc : memref<!tpu.dma_semaphore, #tpu.memory_space<semaphore_mem>>
        %dma_start3A_41 = arith.constant 0 : i32
        %dma_start3A_42 = tpu.memref_slice %arg10[%add3A_28, %dma_start3A_41] : memref<204800x64xf32, #tpu.memory_space<hbm>> -> memref<128x64xf32, #tpu.memory_space<hbm>>
        %dma_start3A_43 = arith.constant 0 : i32
        %dma_start3A_44 = tpu.memref_slice %arg10[%add3A_28, %dma_start3A_43] : memref<204800x64xf32, #tpu.memory_space<hbm>> -> memref<128x64xf32, #tpu.memory_space<hbm>>
        tpu.enqueue_dma source(%arg13 : memref<128x64xf32, #tpu.memory_space<vmem>>) target(%dma_start3A_44 : memref<128x64xf32, #tpu.memory_space<hbm>>) target_semaphore(%run_scoped3A : memref<!tpu.dma_semaphore, #tpu.memory_space<semaphore_mem>>)
        %dma_wait3A_45 = arith.constant 0 : i32
        %dma_wait3A_46 = tpu.memref_slice %arg10[%add3A_28, %dma_wait3A_45] : memref<204800x64xf32, #tpu.memory_space<hbm>> -> memref<128x64xf32, #tpu.memory_space<hbm>>
        %dma_wait3A_47 = arith.constant 0 : i32
        %dma_wait3A_48 = tpu.memref_slice %arg10[%add3A_28, %dma_wait3A_47] : memref<204800x64xf32, #tpu.memory_space<hbm>> -> memref<128x64xf32, #tpu.memory_space<hbm>>
        tpu.wait_dma2 semaphore(%run_scoped3A : memref<!tpu.dma_semaphore, #tpu.memory_space<semaphore_mem>>) src(%arg13 : memref<128x64xf32, #tpu.memory_space<vmem>>) dst(%dma_wait3A_48 : memref<128x64xf32, #tpu.memory_space<hbm>>)
        tpu.yield
      }) : () -> ()
      %scan3A_40 = arith.constant 0 : i32
      scf.yield %scan3A_40 : i32
    }
    %scan3A_16 = arith.constant 50 : i32
    "tpu.region"() ({
      %run_scoped3A = tpu.sem_alloc : memref<!tpu.dma_semaphore, #tpu.memory_space<semaphore_mem>>
      tpu.enqueue_dma source(%arg7 : memref<1024xi32, #tpu.memory_space<hbm>>) target(%arg14 : memref<1024xi32, #tpu.memory_space<vmem>>) target_semaphore(%run_scoped3A : memref<!tpu.dma_semaphore, #tpu.memory_space<semaphore_mem>>)
      tpu.wait_dma2 semaphore(%run_scoped3A : memref<!tpu.dma_semaphore, #tpu.memory_space<semaphore_mem>>) src(%arg7 : memref<1024xi32, #tpu.memory_space<hbm>>) dst(%arg14 : memref<1024xi32, #tpu.memory_space<vmem>>)
      tpu.yield
    }) : () -> ()
    %scan3A_17 = arith.constant 0 : i32
    %scan3A_18 = arith.constant 0 : i32
    %scan3A_19 = arith.constant 50 : i32
    %scan3A_20 = arith.addi %scan3A_18, %scan3A_19 : i32
    %scan3A_21 = arith.constant 1 : i32
    %scan3A_22 = scf.for %scan3A_24 = %scan3A_18 to %scan3A_20 step %scan3A_21 iter_args(%scan3A_25 = %scan3A_17) -> (i32)  : i32 {
      %mul3A_26 = arith.constant 128 : i32
      %mul3A_27 = arith.muli %scan3A_24, %mul3A_26 : i32
      %add3A_28 = arith.addi %mul3A_2, %mul3A_27 : i32
      "tpu.region"() ({
        %run_scoped3A = tpu.sem_alloc : memref<!tpu.dma_semaphore, #tpu.memory_space<semaphore_mem>>
        %dma_start3A_41 = tpu.memref_slice %arg4[%add3A_28] : memref<204800xi32, #tpu.memory_space<hbm>> -> memref<128xi32, #tpu.memory_space<hbm>>
        %dma_start3A_42 = tpu.memref_slice %arg4[%add3A_28] : memref<204800xi32, #tpu.memory_space<hbm>> -> memref<128xi32, #tpu.memory_space<hbm>>
        tpu.enqueue_dma source(%dma_start3A_42 : memref<128xi32, #tpu.memory_space<hbm>>) target(%arg12 : memref<128xi32, #tpu.memory_space<vmem>>) target_semaphore(%run_scoped3A : memref<!tpu.dma_semaphore, #tpu.memory_space<semaphore_mem>>)
        %dma_wait3A_43 = tpu.memref_slice %arg4[%add3A_28] : memref<204800xi32, #tpu.memory_space<hbm>> -> memref<128xi32, #tpu.memory_space<hbm>>
        %dma_wait3A_44 = tpu.memref_slice %arg4[%add3A_28] : memref<204800xi32, #tpu.memory_space<hbm>> -> memref<128xi32, #tpu.memory_space<hbm>>
        tpu.wait_dma2 semaphore(%run_scoped3A : memref<!tpu.dma_semaphore, #tpu.memory_space<semaphore_mem>>) src(%dma_wait3A_44 : memref<128xi32, #tpu.memory_space<hbm>>) dst(%arg12 : memref<128xi32, #tpu.memory_space<vmem>>)
        tpu.yield
      }) : () -> ()
      %dma_start3A = arith.constant 0 : i32
      %dma_start3A_29 = arith.constant 0 : i32
      %dma_start3A_30 = tpu.memref_slice %arg8[%dma_start3A, %dma_start3A_29] : memref<1000000x64xf32, #tpu.memory_space<hbm>> -> memref<1000000x64xf32, #tpu.memory_space<hbm>>
      tpu.enqueue_indirect_dma source(%dma_start3A_30 : memref<1000000x64xf32, #tpu.memory_space<hbm>>) target(%arg13 : memref<128x64xf32, #tpu.memory_space<vmem>>) offsets(%arg12 : memref<128xi32, #tpu.memory_space<vmem>>) semaphore(%arg15 : memref<!tpu.dma_semaphore, #tpu.memory_space<semaphore_mem>>)
      %dma_wait3A = arith.constant 0 : i32
      %dma_wait3A_31 = arith.constant 0 : i32
      %dma_wait3A_32 = tpu.memref_slice %arg8[%dma_wait3A, %dma_wait3A_31] : memref<1000000x64xf32, #tpu.memory_space<hbm>> -> memref<1000000x64xf32, #tpu.memory_space<hbm>>
      tpu.wait_indirect_dma semaphore(%arg15 : memref<!tpu.dma_semaphore, #tpu.memory_space<semaphore_mem>>) src(%dma_wait3A_32 : memref<1000000x64xf32, #tpu.memory_space<hbm>>) dst(%arg13 : memref<128x64xf32, #tpu.memory_space<vmem>>)
      %scan3A_33 = arith.constant 0 : i32
      %scan3A_34 = arith.constant 0 : i32
      %scan3A_35 = arith.constant 8 : i32
      %scan3A_36 = arith.addi %scan3A_34, %scan3A_35 : i32
      %scan3A_37 = arith.constant 1 : i32
      %scan3A_38 = scf.for %scan3A_41 = %scan3A_34 to %scan3A_36 step %scan3A_37 iter_args(%scan3A_42 = %scan3A_33) -> (i32)  : i32 {
        %mul3A_43 = arith.constant 16 : i32
        %mul3A_44 = arith.muli %scan3A_41, %mul3A_43 : i32
        %add3A_45 = vector.broadcast %mul3A_44 : i32 to vector<16xi32>
        %add3A_46 = arith.addi %add3A_45, %iota3A : vector<16xi32>
        %add3A_47 = vector.broadcast %add3A_28 : i32 to vector<16xi32>
        %add3A_48 = arith.addi %add3A_47, %add3A_46 : vector<16xi32>
        %jit3A = arith.constant 200 : i32
        %div3A = vector.broadcast %jit3A : i32 to vector<16xi32>
        %div3A_49 = arith.divsi %add3A_48, %div3A : vector<16xi32>
        %sign3A = arith.constant 0 : i32
        %sign3A_50 = vector.broadcast %sign3A : i32 to vector<16xi32>
        %sign3A_51 = arith.cmpi sgt, %add3A_48, %sign3A_50 : vector<16xi32>
        %sign3A_52 = arith.extui %sign3A_51 : vector<16xi1> to vector<16xi32>
        %sign3A_53 = arith.constant 0 : i32
        %sign3A_54 = vector.broadcast %sign3A_53 : i32 to vector<16xi32>
        %sign3A_55 = arith.cmpi slt, %add3A_48, %sign3A_54 : vector<16xi32>
        %sign3A_56 = arith.extui %sign3A_55 : vector<16xi1> to vector<16xi32>
        %sign3A_57 = arith.subi %sign3A_52, %sign3A_56 : vector<16xi32>
        %sign3A_58 = arith.constant 0 : i32
        %sign3A_59 = arith.cmpi sgt, %jit3A, %sign3A_58 : i32
        %sign3A_60 = arith.extui %sign3A_59 : i1 to i32
        %sign3A_61 = arith.constant 0 : i32
        %sign3A_62 = arith.cmpi slt, %jit3A, %sign3A_61 : i32
        %sign3A_63 = arith.extui %sign3A_62 : i1 to i32
        %sign3A_64 = arith.subi %sign3A_60, %sign3A_63 : i32
        %ne3A = vector.broadcast %sign3A_64 : i32 to vector<16xi32>
        %ne3A_65 = arith.cmpi ne, %sign3A_57, %ne3A : vector<16xi32>
        %rem3A = vector.broadcast %jit3A : i32 to vector<16xi32>
        %rem3A_66 = arith.remsi %add3A_48, %rem3A : vector<16xi32>
        %ne3A_67 = arith.constant 0 : i32
        %ne3A_68 = vector.broadcast %ne3A_67 : i32 to vector<16xi32>
        %ne3A_69 = arith.cmpi ne, %rem3A_66, %ne3A_68 : vector<16xi32>
        %and3A = arith.andi %ne3A_65, %ne3A_69 : vector<16xi1>
        %sub3A = arith.constant 1 : i32
        %sub3A_70 = vector.broadcast %sub3A : i32 to vector<16xi32>
        %sub3A_71 = arith.subi %div3A_49, %sub3A_70 : vector<16xi32>
        %select_n3A = arith.select %and3A, %sub3A_71, %div3A_49 : vector<16xi1>, vector<16xi32>
        %mul3A_72 = arith.constant 200 : i32
        %mul3A_73 = vector.broadcast %mul3A_72 : i32 to vector<16xi32>
        %mul3A_74 = arith.muli %select_n3A, %mul3A_73 : vector<16xi32>
        %sub3A_75 = arith.subi %add3A_48, %mul3A_74 : vector<16xi32>
        %gather3A = tpu.vector_load_idx %arg14[%select_n3A] : memref<1024xi32, #tpu.memory_space<vmem>>[vector<16xi32>], vector<16xi32>,
        %ge3A = arith.cmpi sge, %sub3A_75, %gather3A : vector<16xi32>
        %reduce_or3A = arith.constant 1.000000e+00 : f32
        %reduce_or3A_76 = arith.constant 0.000000e+00 : f32
        %reduce_or3A_77 = vector.broadcast %reduce_or3A : f32 to vector<16xf32>
        %reduce_or3A_78 = vector.broadcast %reduce_or3A_76 : f32 to vector<16xf32>
        %reduce_or3A_79 = arith.select %ge3A, %reduce_or3A_77, %reduce_or3A_78 : vector<16xi1>, vector<16xf32>
        %reduce_or3A_80 = arith.constant true
        %reduce_or3A_81 = vector.broadcast %reduce_or3A_80 : i1 to vector<16xi1>
        %reduce_or3A_82 = tpu.scan <max>, %reduce_or3A_79 masked %reduce_or3A_81 : vector<16xf32>, vector<16xi1> -> vector<16xf32>
        %reduce_or3A_83 = vector.extract %reduce_or3A_82[15] : f32 from vector<16xf32>
        %reduce_or3A_84 = arith.constant 0.000000e+00 : f32
        %reduce_or3A_85 = arith.cmpf ogt, %reduce_or3A_83, %reduce_or3A_84 : f32
        %convert_element_type3A = arith.extui %reduce_or3A_85 : i1 to i32
        %cond3A = arith.constant 0 : i32
        %cond3A_86 = arith.cmpi ne, %convert_element_type3A, %cond3A : i32
        scf.if %cond3A_86 {
          %broadcast_in_dim3A_88 = arith.constant 0 : i32
          %broadcast_in_dim3A_89 = vector.broadcast %broadcast_in_dim3A_88 : i32 to vector<16xi32>
          tpu.vector_store_idx %arg13[%add3A_46, %broadcast_in_dim3A_89], %broadcast_in_dim3A_3 masked %ge3A : memref<128x64xf32, #tpu.memory_space<vmem>>[vector<16xi32>, vector<16xi32>], vector<16xf32>, vector<16xi1>
          %broadcast_in_dim3A_90 = arith.constant 1 : i32
          %broadcast_in_dim3A_91 = vector.broadcast %broadcast_in_dim3A_90 : i32 to vector<16xi32>
          tpu.vector_store_idx %arg13[%add3A_46, %broadcast_in_dim3A_91], %broadcast_in_dim3A_3 masked %ge3A : memref<128x64xf32, #tpu.memory_space<vmem>>[vector<16xi32>, vector<16xi32>], vector<16xf32>, vector<16xi1>
          %broadcast_in_dim3A_92 = arith.constant 2 : i32
          %broadcast_in_dim3A_93 = vector.broadcast %broadcast_in_dim3A_92 : i32 to vector<16xi32>
          tpu.vector_store_idx %arg13[%add3A_46, %broadcast_in_dim3A_93], %broadcast_in_dim3A_3 masked %ge3A : memref<128x64xf32, #tpu.memory_space<vmem>>[vector<16xi32>, vector<16xi32>], vector<16xf32>, vector<16xi1>
          %broadcast_in_dim3A_94 = arith.constant 3 : i32
          %broadcast_in_dim3A_95 = vector.broadcast %broadcast_in_dim3A_94 : i32 to vector<16xi32>
          tpu.vector_store_idx %arg13[%add3A_46, %broadcast_in_dim3A_95], %broadcast_in_dim3A_3 masked %ge3A : memref<128x64xf32, #tpu.memory_space<vmem>>[vector<16xi32>, vector<16xi32>], vector<16xf32>, vector<16xi1>
          %broadcast_in_dim3A_96 = arith.constant 4 : i32
          %broadcast_in_dim3A_97 = vector.broadcast %broadcast_in_dim3A_96 : i32 to vector<16xi32>
          tpu.vector_store_idx %arg13[%add3A_46, %broadcast_in_dim3A_97], %broadcast_in_dim3A_3 masked %ge3A : memref<128x64xf32, #tpu.memory_space<vmem>>[vector<16xi32>, vector<16xi32>], vector<16xf32>, vector<16xi1>
          %broadcast_in_dim3A_98 = arith.constant 5 : i32
          %broadcast_in_dim3A_99 = vector.broadcast %broadcast_in_dim3A_98 : i32 to vector<16xi32>
          tpu.vector_store_idx %arg13[%add3A_46, %broadcast_in_dim3A_99], %broadcast_in_dim3A_3 masked %ge3A : memref<128x64xf32, #tpu.memory_space<vmem>>[vector<16xi32>, vector<16xi32>], vector<16xf32>, vector<16xi1>
          %broadcast_in_dim3A_100 = arith.constant 6 : i32
          %broadcast_in_dim3A_101 = vector.broadcast %broadcast_in_dim3A_100 : i32 to vector<16xi32>
          tpu.vector_store_idx %arg13[%add3A_46, %broadcast_in_dim3A_101], %broadcast_in_dim3A_3 masked %ge3A : memref<128x64xf32, #tpu.memory_space<vmem>>[vector<16xi32>, vector<16xi32>], vector<16xf32>, vector<16xi1>
          %broadcast_in_dim3A_102 = arith.constant 7 : i32
          %broadcast_in_dim3A_103 = vector.broadcast %broadcast_in_dim3A_102 : i32 to vector<16xi32>
          tpu.vector_store_idx %arg13[%add3A_46, %broadcast_in_dim3A_103], %broadcast_in_dim3A_3 masked %ge3A : memref<128x64xf32, #tpu.memory_space<vmem>>[vector<16xi32>, vector<16xi32>], vector<16xf32>, vector<16xi1>
          %broadcast_in_dim3A_104 = arith.constant 8 : i32
          %broadcast_in_dim3A_105 = vector.broadcast %broadcast_in_dim3A_104 : i32 to vector<16xi32>
          tpu.vector_store_idx %arg13[%add3A_46, %broadcast_in_dim3A_105], %broadcast_in_dim3A_3 masked %ge3A : memref<128x64xf32, #tpu.memory_space<vmem>>[vector<16xi32>, vector<16xi32>], vector<16xf32>, vector<16xi1>
          %broadcast_in_dim3A_106 = arith.constant 9 : i32
          %broadcast_in_dim3A_107 = vector.broadcast %broadcast_in_dim3A_106 : i32 to vector<16xi32>
          tpu.vector_store_idx %arg13[%add3A_46, %broadcast_in_dim3A_107], %broadcast_in_dim3A_3 masked %ge3A : memref<128x64xf32, #tpu.memory_space<vmem>>[vector<16xi32>, vector<16xi32>], vector<16xf32>, vector<16xi1>
          %broadcast_in_dim3A_108 = arith.constant 10 : i32
          %broadcast_in_dim3A_109 = vector.broadcast %broadcast_in_dim3A_108 : i32 to vector<16xi32>
          tpu.vector_store_idx %arg13[%add3A_46, %broadcast_in_dim3A_109], %broadcast_in_dim3A_3 masked %ge3A : memref<128x64xf32, #tpu.memory_space<vmem>>[vector<16xi32>, vector<16xi32>], vector<16xf32>, vector<16xi1>
          %broadcast_in_dim3A_110 = arith.constant 11 : i32
          %broadcast_in_dim3A_111 = vector.broadcast %broadcast_in_dim3A_110 : i32 to vector<16xi32>
          tpu.vector_store_idx %arg13[%add3A_46, %broadcast_in_dim3A_111], %broadcast_in_dim3A_3 masked %ge3A : memref<128x64xf32, #tpu.memory_space<vmem>>[vector<16xi32>, vector<16xi32>], vector<16xf32>, vector<16xi1>
          %broadcast_in_dim3A_112 = arith.constant 12 : i32
          %broadcast_in_dim3A_113 = vector.broadcast %broadcast_in_dim3A_112 : i32 to vector<16xi32>
          tpu.vector_store_idx %arg13[%add3A_46, %broadcast_in_dim3A_113], %broadcast_in_dim3A_3 masked %ge3A : memref<128x64xf32, #tpu.memory_space<vmem>>[vector<16xi32>, vector<16xi32>], vector<16xf32>, vector<16xi1>
          %broadcast_in_dim3A_114 = arith.constant 13 : i32
          %broadcast_in_dim3A_115 = vector.broadcast %broadcast_in_dim3A_114 : i32 to vector<16xi32>
          tpu.vector_store_idx %arg13[%add3A_46, %broadcast_in_dim3A_115], %broadcast_in_dim3A_3 masked %ge3A : memref<128x64xf32, #tpu.memory_space<vmem>>[vector<16xi32>, vector<16xi32>], vector<16xf32>, vector<16xi1>
          %broadcast_in_dim3A_116 = arith.constant 14 : i32
          %broadcast_in_dim3A_117 = vector.broadcast %broadcast_in_dim3A_116 : i32 to vector<16xi32>
          tpu.vector_store_idx %arg13[%add3A_46, %broadcast_in_dim3A_117], %broadcast_in_dim3A_3 masked %ge3A : memref<128x64xf32, #tpu.memory_space<vmem>>[vector<16xi32>, vector<16xi32>], vector<16xf32>, vector<16xi1>
          %broadcast_in_dim3A_118 = arith.constant 15 : i32
          %broadcast_in_dim3A_119 = vector.broadcast %broadcast_in_dim3A_118 : i32 to vector<16xi32>
          tpu.vector_store_idx %arg13[%add3A_46, %broadcast_in_dim3A_119], %broadcast_in_dim3A_3 masked %ge3A : memref<128x64xf32, #tpu.memory_space<vmem>>[vector<16xi32>, vector<16xi32>], vector<16xf32>, vector<16xi1>
          %broadcast_in_dim3A_120 = arith.constant 16 : i32
          %broadcast_in_dim3A_121 = vector.broadcast %broadcast_in_dim3A_120 : i32 to vector<16xi32>
          tpu.vector_store_idx %arg13[%add3A_46, %broadcast_in_dim3A_121], %broadcast_in_dim3A_3 masked %ge3A : memref<128x64xf32, #tpu.memory_space<vmem>>[vector<16xi32>, vector<16xi32>], vector<16xf32>, vector<16xi1>
          %broadcast_in_dim3A_122 = arith.constant 17 : i32
          %broadcast_in_dim3A_123 = vector.broadcast %broadcast_in_dim3A_122 : i32 to vector<16xi32>
          tpu.vector_store_idx %arg13[%add3A_46, %broadcast_in_dim3A_123], %broadcast_in_dim3A_3 masked %ge3A : memref<128x64xf32, #tpu.memory_space<vmem>>[vector<16xi32>, vector<16xi32>], vector<16xf32>, vector<16xi1>
          %broadcast_in_dim3A_124 = arith.constant 18 : i32
          %broadcast_in_dim3A_125 = vector.broadcast %broadcast_in_dim3A_124 : i32 to vector<16xi32>
          tpu.vector_store_idx %arg13[%add3A_46, %broadcast_in_dim3A_125], %broadcast_in_dim3A_3 masked %ge3A : memref<128x64xf32, #tpu.memory_space<vmem>>[vector<16xi32>, vector<16xi32>], vector<16xf32>, vector<16xi1>
          %broadcast_in_dim3A_126 = arith.constant 19 : i32
          %broadcast_in_dim3A_127 = vector.broadcast %broadcast_in_dim3A_126 : i32 to vector<16xi32>
          tpu.vector_store_idx %arg13[%add3A_46, %broadcast_in_dim3A_127], %broadcast_in_dim3A_3 masked %ge3A : memref<128x64xf32, #tpu.memory_space<vmem>>[vector<16xi32>, vector<16xi32>], vector<16xf32>, vector<16xi1>
          %broadcast_in_dim3A_128 = arith.constant 20 : i32
          %broadcast_in_dim3A_129 = vector.broadcast %broadcast_in_dim3A_128 : i32 to vector<16xi32>
          tpu.vector_store_idx %arg13[%add3A_46, %broadcast_in_dim3A_129], %broadcast_in_dim3A_3 masked %ge3A : memref<128x64xf32, #tpu.memory_space<vmem>>[vector<16xi32>, vector<16xi32>], vector<16xf32>, vector<16xi1>
          %broadcast_in_dim3A_130 = arith.constant 21 : i32
          %broadcast_in_dim3A_131 = vector.broadcast %broadcast_in_dim3A_130 : i32 to vector<16xi32>
          tpu.vector_store_idx %arg13[%add3A_46, %broadcast_in_dim3A_131], %broadcast_in_dim3A_3 masked %ge3A : memref<128x64xf32, #tpu.memory_space<vmem>>[vector<16xi32>, vector<16xi32>], vector<16xf32>, vector<16xi1>
          %broadcast_in_dim3A_132 = arith.constant 22 : i32
          %broadcast_in_dim3A_133 = vector.broadcast %broadcast_in_dim3A_132 : i32 to vector<16xi32>
          tpu.vector_store_idx %arg13[%add3A_46, %broadcast_in_dim3A_133], %broadcast_in_dim3A_3 masked %ge3A : memref<128x64xf32, #tpu.memory_space<vmem>>[vector<16xi32>, vector<16xi32>], vector<16xf32>, vector<16xi1>
          %broadcast_in_dim3A_134 = arith.constant 23 : i32
          %broadcast_in_dim3A_135 = vector.broadcast %broadcast_in_dim3A_134 : i32 to vector<16xi32>
          tpu.vector_store_idx %arg13[%add3A_46, %broadcast_in_dim3A_135], %broadcast_in_dim3A_3 masked %ge3A : memref<128x64xf32, #tpu.memory_space<vmem>>[vector<16xi32>, vector<16xi32>], vector<16xf32>, vector<16xi1>
          %broadcast_in_dim3A_136 = arith.constant 24 : i32
          %broadcast_in_dim3A_137 = vector.broadcast %broadcast_in_dim3A_136 : i32 to vector<16xi32>
          tpu.vector_store_idx %arg13[%add3A_46, %broadcast_in_dim3A_137], %broadcast_in_dim3A_3 masked %ge3A : memref<128x64xf32, #tpu.memory_space<vmem>>[vector<16xi32>, vector<16xi32>], vector<16xf32>, vector<16xi1>
          %broadcast_in_dim3A_138 = arith.constant 25 : i32
          %broadcast_in_dim3A_139 = vector.broadcast %broadcast_in_dim3A_138 : i32 to vector<16xi32>
          tpu.vector_store_idx %arg13[%add3A_46, %broadcast_in_dim3A_139], %broadcast_in_dim3A_3 masked %ge3A : memref<128x64xf32, #tpu.memory_space<vmem>>[vector<16xi32>, vector<16xi32>], vector<16xf32>, vector<16xi1>
          %broadcast_in_dim3A_140 = arith.constant 26 : i32
          %broadcast_in_dim3A_141 = vector.broadcast %broadcast_in_dim3A_140 : i32 to vector<16xi32>
          tpu.vector_store_idx %arg13[%add3A_46, %broadcast_in_dim3A_141], %broadcast_in_dim3A_3 masked %ge3A : memref<128x64xf32, #tpu.memory_space<vmem>>[vector<16xi32>, vector<16xi32>], vector<16xf32>, vector<16xi1>
          %broadcast_in_dim3A_142 = arith.constant 27 : i32
          %broadcast_in_dim3A_143 = vector.broadcast %broadcast_in_dim3A_142 : i32 to vector<16xi32>
          tpu.vector_store_idx %arg13[%add3A_46, %broadcast_in_dim3A_143], %broadcast_in_dim3A_3 masked %ge3A : memref<128x64xf32, #tpu.memory_space<vmem>>[vector<16xi32>, vector<16xi32>], vector<16xf32>, vector<16xi1>
          %broadcast_in_dim3A_144 = arith.constant 28 : i32
          %broadcast_in_dim3A_145 = vector.broadcast %broadcast_in_dim3A_144 : i32 to vector<16xi32>
          tpu.vector_store_idx %arg13[%add3A_46, %broadcast_in_dim3A_145], %broadcast_in_dim3A_3 masked %ge3A : memref<128x64xf32, #tpu.memory_space<vmem>>[vector<16xi32>, vector<16xi32>], vector<16xf32>, vector<16xi1>
          %broadcast_in_dim3A_146 = arith.constant 29 : i32
          %broadcast_in_dim3A_147 = vector.broadcast %broadcast_in_dim3A_146 : i32 to vector<16xi32>
          tpu.vector_store_idx %arg13[%add3A_46, %broadcast_in_dim3A_147], %broadcast_in_dim3A_3 masked %ge3A : memref<128x64xf32, #tpu.memory_space<vmem>>[vector<16xi32>, vector<16xi32>], vector<16xf32>, vector<16xi1>
          %broadcast_in_dim3A_148 = arith.constant 30 : i32
          %broadcast_in_dim3A_149 = vector.broadcast %broadcast_in_dim3A_148 : i32 to vector<16xi32>
          tpu.vector_store_idx %arg13[%add3A_46, %broadcast_in_dim3A_149], %broadcast_in_dim3A_3 masked %ge3A : memref<128x64xf32, #tpu.memory_space<vmem>>[vector<16xi32>, vector<16xi32>], vector<16xf32>, vector<16xi1>
          %broadcast_in_dim3A_150 = arith.constant 31 : i32
          %broadcast_in_dim3A_151 = vector.broadcast %broadcast_in_dim3A_150 : i32 to vector<16xi32>
          tpu.vector_store_idx %arg13[%add3A_46, %broadcast_in_dim3A_151], %broadcast_in_dim3A_3 masked %ge3A : memref<128x64xf32, #tpu.memory_space<vmem>>[vector<16xi32>, vector<16xi32>], vector<16xf32>, vector<16xi1>
          %broadcast_in_dim3A_152 = arith.constant 32 : i32
          %broadcast_in_dim3A_153 = vector.broadcast %broadcast_in_dim3A_152 : i32 to vector<16xi32>
          tpu.vector_store_idx %arg13[%add3A_46, %broadcast_in_dim3A_153], %broadcast_in_dim3A_3 masked %ge3A : memref<128x64xf32, #tpu.memory_space<vmem>>[vector<16xi32>, vector<16xi32>], vector<16xf32>, vector<16xi1>
          %broadcast_in_dim3A_154 = arith.constant 33 : i32
          %broadcast_in_dim3A_155 = vector.broadcast %broadcast_in_dim3A_154 : i32 to vector<16xi32>
          tpu.vector_store_idx %arg13[%add3A_46, %broadcast_in_dim3A_155], %broadcast_in_dim3A_3 masked %ge3A : memref<128x64xf32, #tpu.memory_space<vmem>>[vector<16xi32>, vector<16xi32>], vector<16xf32>, vector<16xi1>
          %broadcast_in_dim3A_156 = arith.constant 34 : i32
          %broadcast_in_dim3A_157 = vector.broadcast %broadcast_in_dim3A_156 : i32 to vector<16xi32>
          tpu.vector_store_idx %arg13[%add3A_46, %broadcast_in_dim3A_157], %broadcast_in_dim3A_3 masked %ge3A : memref<128x64xf32, #tpu.memory_space<vmem>>[vector<16xi32>, vector<16xi32>], vector<16xf32>, vector<16xi1>
          %broadcast_in_dim3A_158 = arith.constant 35 : i32
          %broadcast_in_dim3A_159 = vector.broadcast %broadcast_in_dim3A_158 : i32 to vector<16xi32>
          tpu.vector_store_idx %arg13[%add3A_46, %broadcast_in_dim3A_159], %broadcast_in_dim3A_3 masked %ge3A : memref<128x64xf32, #tpu.memory_space<vmem>>[vector<16xi32>, vector<16xi32>], vector<16xf32>, vector<16xi1>
          %broadcast_in_dim3A_160 = arith.constant 36 : i32
          %broadcast_in_dim3A_161 = vector.broadcast %broadcast_in_dim3A_160 : i32 to vector<16xi32>
          tpu.vector_store_idx %arg13[%add3A_46, %broadcast_in_dim3A_161], %broadcast_in_dim3A_3 masked %ge3A : memref<128x64xf32, #tpu.memory_space<vmem>>[vector<16xi32>, vector<16xi32>], vector<16xf32>, vector<16xi1>
          %broadcast_in_dim3A_162 = arith.constant 37 : i32
          %broadcast_in_dim3A_163 = vector.broadcast %broadcast_in_dim3A_162 : i32 to vector<16xi32>
          tpu.vector_store_idx %arg13[%add3A_46, %broadcast_in_dim3A_163], %broadcast_in_dim3A_3 masked %ge3A : memref<128x64xf32, #tpu.memory_space<vmem>>[vector<16xi32>, vector<16xi32>], vector<16xf32>, vector<16xi1>
          %broadcast_in_dim3A_164 = arith.constant 38 : i32
          %broadcast_in_dim3A_165 = vector.broadcast %broadcast_in_dim3A_164 : i32 to vector<16xi32>
          tpu.vector_store_idx %arg13[%add3A_46, %broadcast_in_dim3A_165], %broadcast_in_dim3A_3 masked %ge3A : memref<128x64xf32, #tpu.memory_space<vmem>>[vector<16xi32>, vector<16xi32>], vector<16xf32>, vector<16xi1>
          %broadcast_in_dim3A_166 = arith.constant 39 : i32
          %broadcast_in_dim3A_167 = vector.broadcast %broadcast_in_dim3A_166 : i32 to vector<16xi32>
          tpu.vector_store_idx %arg13[%add3A_46, %broadcast_in_dim3A_167], %broadcast_in_dim3A_3 masked %ge3A : memref<128x64xf32, #tpu.memory_space<vmem>>[vector<16xi32>, vector<16xi32>], vector<16xf32>, vector<16xi1>
          %broadcast_in_dim3A_168 = arith.constant 40 : i32
          %broadcast_in_dim3A_169 = vector.broadcast %broadcast_in_dim3A_168 : i32 to vector<16xi32>
          tpu.vector_store_idx %arg13[%add3A_46, %broadcast_in_dim3A_169], %broadcast_in_dim3A_3 masked %ge3A : memref<128x64xf32, #tpu.memory_space<vmem>>[vector<16xi32>, vector<16xi32>], vector<16xf32>, vector<16xi1>
          %broadcast_in_dim3A_170 = arith.constant 41 : i32
          %broadcast_in_dim3A_171 = vector.broadcast %broadcast_in_dim3A_170 : i32 to vector<16xi32>
          tpu.vector_store_idx %arg13[%add3A_46, %broadcast_in_dim3A_171], %broadcast_in_dim3A_3 masked %ge3A : memref<128x64xf32, #tpu.memory_space<vmem>>[vector<16xi32>, vector<16xi32>], vector<16xf32>, vector<16xi1>
          %broadcast_in_dim3A_172 = arith.constant 42 : i32
          %broadcast_in_dim3A_173 = vector.broadcast %broadcast_in_dim3A_172 : i32 to vector<16xi32>
          tpu.vector_store_idx %arg13[%add3A_46, %broadcast_in_dim3A_173], %broadcast_in_dim3A_3 masked %ge3A : memref<128x64xf32, #tpu.memory_space<vmem>>[vector<16xi32>, vector<16xi32>], vector<16xf32>, vector<16xi1>
          %broadcast_in_dim3A_174 = arith.constant 43 : i32
          %broadcast_in_dim3A_175 = vector.broadcast %broadcast_in_dim3A_174 : i32 to vector<16xi32>
          tpu.vector_store_idx %arg13[%add3A_46, %broadcast_in_dim3A_175], %broadcast_in_dim3A_3 masked %ge3A : memref<128x64xf32, #tpu.memory_space<vmem>>[vector<16xi32>, vector<16xi32>], vector<16xf32>, vector<16xi1>
          %broadcast_in_dim3A_176 = arith.constant 44 : i32
          %broadcast_in_dim3A_177 = vector.broadcast %broadcast_in_dim3A_176 : i32 to vector<16xi32>
          tpu.vector_store_idx %arg13[%add3A_46, %broadcast_in_dim3A_177], %broadcast_in_dim3A_3 masked %ge3A : memref<128x64xf32, #tpu.memory_space<vmem>>[vector<16xi32>, vector<16xi32>], vector<16xf32>, vector<16xi1>
          %broadcast_in_dim3A_178 = arith.constant 45 : i32
          %broadcast_in_dim3A_179 = vector.broadcast %broadcast_in_dim3A_178 : i32 to vector<16xi32>
          tpu.vector_store_idx %arg13[%add3A_46, %broadcast_in_dim3A_179], %broadcast_in_dim3A_3 masked %ge3A : memref<128x64xf32, #tpu.memory_space<vmem>>[vector<16xi32>, vector<16xi32>], vector<16xf32>, vector<16xi1>
          %broadcast_in_dim3A_180 = arith.constant 46 : i32
          %broadcast_in_dim3A_181 = vector.broadcast %broadcast_in_dim3A_180 : i32 to vector<16xi32>
          tpu.vector_store_idx %arg13[%add3A_46, %broadcast_in_dim3A_181], %broadcast_in_dim3A_3 masked %ge3A : memref<128x64xf32, #tpu.memory_space<vmem>>[vector<16xi32>, vector<16xi32>], vector<16xf32>, vector<16xi1>
          %broadcast_in_dim3A_182 = arith.constant 47 : i32
          %broadcast_in_dim3A_183 = vector.broadcast %broadcast_in_dim3A_182 : i32 to vector<16xi32>
          tpu.vector_store_idx %arg13[%add3A_46, %broadcast_in_dim3A_183], %broadcast_in_dim3A_3 masked %ge3A : memref<128x64xf32, #tpu.memory_space<vmem>>[vector<16xi32>, vector<16xi32>], vector<16xf32>, vector<16xi1>
          %broadcast_in_dim3A_184 = arith.constant 48 : i32
          %broadcast_in_dim3A_185 = vector.broadcast %broadcast_in_dim3A_184 : i32 to vector<16xi32>
          tpu.vector_store_idx %arg13[%add3A_46, %broadcast_in_dim3A_185], %broadcast_in_dim3A_3 masked %ge3A : memref<128x64xf32, #tpu.memory_space<vmem>>[vector<16xi32>, vector<16xi32>], vector<16xf32>, vector<16xi1>
          %broadcast_in_dim3A_186 = arith.constant 49 : i32
          %broadcast_in_dim3A_187 = vector.broadcast %broadcast_in_dim3A_186 : i32 to vector<16xi32>
          tpu.vector_store_idx %arg13[%add3A_46, %broadcast_in_dim3A_187], %broadcast_in_dim3A_3 masked %ge3A : memref<128x64xf32, #tpu.memory_space<vmem>>[vector<16xi32>, vector<16xi32>], vector<16xf32>, vector<16xi1>
          %broadcast_in_dim3A_188 = arith.constant 50 : i32
          %broadcast_in_dim3A_189 = vector.broadcast %broadcast_in_dim3A_188 : i32 to vector<16xi32>
          tpu.vector_store_idx %arg13[%add3A_46, %broadcast_in_dim3A_189], %broadcast_in_dim3A_3 masked %ge3A : memref<128x64xf32, #tpu.memory_space<vmem>>[vector<16xi32>, vector<16xi32>], vector<16xf32>, vector<16xi1>
          %broadcast_in_dim3A_190 = arith.constant 51 : i32
          %broadcast_in_dim3A_191 = vector.broadcast %broadcast_in_dim3A_190 : i32 to vector<16xi32>
          tpu.vector_store_idx %arg13[%add3A_46, %broadcast_in_dim3A_191], %broadcast_in_dim3A_3 masked %ge3A : memref<128x64xf32, #tpu.memory_space<vmem>>[vector<16xi32>, vector<16xi32>], vector<16xf32>, vector<16xi1>
          %broadcast_in_dim3A_192 = arith.constant 52 : i32
          %broadcast_in_dim3A_193 = vector.broadcast %broadcast_in_dim3A_192 : i32 to vector<16xi32>
          tpu.vector_store_idx %arg13[%add3A_46, %broadcast_in_dim3A_193], %broadcast_in_dim3A_3 masked %ge3A : memref<128x64xf32, #tpu.memory_space<vmem>>[vector<16xi32>, vector<16xi32>], vector<16xf32>, vector<16xi1>
          %broadcast_in_dim3A_194 = arith.constant 53 : i32
          %broadcast_in_dim3A_195 = vector.broadcast %broadcast_in_dim3A_194 : i32 to vector<16xi32>
          tpu.vector_store_idx %arg13[%add3A_46, %broadcast_in_dim3A_195], %broadcast_in_dim3A_3 masked %ge3A : memref<128x64xf32, #tpu.memory_space<vmem>>[vector<16xi32>, vector<16xi32>], vector<16xf32>, vector<16xi1>
          %broadcast_in_dim3A_196 = arith.constant 54 : i32
          %broadcast_in_dim3A_197 = vector.broadcast %broadcast_in_dim3A_196 : i32 to vector<16xi32>
          tpu.vector_store_idx %arg13[%add3A_46, %broadcast_in_dim3A_197], %broadcast_in_dim3A_3 masked %ge3A : memref<128x64xf32, #tpu.memory_space<vmem>>[vector<16xi32>, vector<16xi32>], vector<16xf32>, vector<16xi1>
          %broadcast_in_dim3A_198 = arith.constant 55 : i32
          %broadcast_in_dim3A_199 = vector.broadcast %broadcast_in_dim3A_198 : i32 to vector<16xi32>
          tpu.vector_store_idx %arg13[%add3A_46, %broadcast_in_dim3A_199], %broadcast_in_dim3A_3 masked %ge3A : memref<128x64xf32, #tpu.memory_space<vmem>>[vector<16xi32>, vector<16xi32>], vector<16xf32>, vector<16xi1>
          %broadcast_in_dim3A_200 = arith.constant 56 : i32
          %broadcast_in_dim3A_201 = vector.broadcast %broadcast_in_dim3A_200 : i32 to vector<16xi32>
          tpu.vector_store_idx %arg13[%add3A_46, %broadcast_in_dim3A_201], %broadcast_in_dim3A_3 masked %ge3A : memref<128x64xf32, #tpu.memory_space<vmem>>[vector<16xi32>, vector<16xi32>], vector<16xf32>, vector<16xi1>
          %broadcast_in_dim3A_202 = arith.constant 57 : i32
          %broadcast_in_dim3A_203 = vector.broadcast %broadcast_in_dim3A_202 : i32 to vector<16xi32>
          tpu.vector_store_idx %arg13[%add3A_46, %broadcast_in_dim3A_203], %broadcast_in_dim3A_3 masked %ge3A : memref<128x64xf32, #tpu.memory_space<vmem>>[vector<16xi32>, vector<16xi32>], vector<16xf32>, vector<16xi1>
          %broadcast_in_dim3A_204 = arith.constant 58 : i32
          %broadcast_in_dim3A_205 = vector.broadcast %broadcast_in_dim3A_204 : i32 to vector<16xi32>
          tpu.vector_store_idx %arg13[%add3A_46, %broadcast_in_dim3A_205], %broadcast_in_dim3A_3 masked %ge3A : memref<128x64xf32, #tpu.memory_space<vmem>>[vector<16xi32>, vector<16xi32>], vector<16xf32>, vector<16xi1>
          %broadcast_in_dim3A_206 = arith.constant 59 : i32
          %broadcast_in_dim3A_207 = vector.broadcast %broadcast_in_dim3A_206 : i32 to vector<16xi32>
          tpu.vector_store_idx %arg13[%add3A_46, %broadcast_in_dim3A_207], %broadcast_in_dim3A_3 masked %ge3A : memref<128x64xf32, #tpu.memory_space<vmem>>[vector<16xi32>, vector<16xi32>], vector<16xf32>, vector<16xi1>
          %broadcast_in_dim3A_208 = arith.constant 60 : i32
          %broadcast_in_dim3A_209 = vector.broadcast %broadcast_in_dim3A_208 : i32 to vector<16xi32>
          tpu.vector_store_idx %arg13[%add3A_46, %broadcast_in_dim3A_209], %broadcast_in_dim3A_3 masked %ge3A : memref<128x64xf32, #tpu.memory_space<vmem>>[vector<16xi32>, vector<16xi32>], vector<16xf32>, vector<16xi1>
          %broadcast_in_dim3A_210 = arith.constant 61 : i32
          %broadcast_in_dim3A_211 = vector.broadcast %broadcast_in_dim3A_210 : i32 to vector<16xi32>
          tpu.vector_store_idx %arg13[%add3A_46, %broadcast_in_dim3A_211], %broadcast_in_dim3A_3 masked %ge3A : memref<128x64xf32, #tpu.memory_space<vmem>>[vector<16xi32>, vector<16xi32>], vector<16xf32>, vector<16xi1>
          %broadcast_in_dim3A_212 = arith.constant 62 : i32
          %broadcast_in_dim3A_213 = vector.broadcast %broadcast_in_dim3A_212 : i32 to vector<16xi32>
          tpu.vector_store_idx %arg13[%add3A_46, %broadcast_in_dim3A_213], %broadcast_in_dim3A_3 masked %ge3A : memref<128x64xf32, #tpu.memory_space<vmem>>[vector<16xi32>, vector<16xi32>], vector<16xf32>, vector<16xi1>
          %broadcast_in_dim3A_214 = arith.constant 63 : i32
          %broadcast_in_dim3A_215 = vector.broadcast %broadcast_in_dim3A_214 : i32 to vector<16xi32>
          tpu.vector_store_idx %arg13[%add3A_46, %broadcast_in_dim3A_215], %broadcast_in_dim3A_3 masked %ge3A : memref<128x64xf32, #tpu.memory_space<vmem>>[vector<16xi32>, vector<16xi32>], vector<16xf32>, vector<16xi1>
        } else {
        }
        %scan3A_87 = arith.constant 0 : i32
        scf.yield %scan3A_87 : i32
      }
      %scan3A_39 = arith.constant 8 : i32
      "tpu.region"() ({
        %run_scoped3A = tpu.sem_alloc : memref<!tpu.dma_semaphore, #tpu.memory_space<semaphore_mem>>
        %dma_start3A_41 = arith.constant 0 : i32
        %dma_start3A_42 = tpu.memref_slice %arg11[%add3A_28, %dma_start3A_41] : memref<204800x64xf32, #tpu.memory_space<hbm>> -> memref<128x64xf32, #tpu.memory_space<hbm>>
        %dma_start3A_43 = arith.constant 0 : i32
        %dma_start3A_44 = tpu.memref_slice %arg11[%add3A_28, %dma_start3A_43] : memref<204800x64xf32, #tpu.memory_space<hbm>> -> memref<128x64xf32, #tpu.memory_space<hbm>>
        tpu.enqueue_dma source(%arg13 : memref<128x64xf32, #tpu.memory_space<vmem>>) target(%dma_start3A_44 : memref<128x64xf32, #tpu.memory_space<hbm>>) target_semaphore(%run_scoped3A : memref<!tpu.dma_semaphore, #tpu.memory_space<semaphore_mem>>)
        %dma_wait3A_45 = arith.constant 0 : i32
        %dma_wait3A_46 = tpu.memref_slice %arg11[%add3A_28, %dma_wait3A_45] : memref<204800x64xf32, #tpu.memory_space<hbm>> -> memref<128x64xf32, #tpu.memory_space<hbm>>
        %dma_wait3A_47 = arith.constant 0 : i32
        %dma_wait3A_48 = tpu.memref_slice %arg11[%add3A_28, %dma_wait3A_47] : memref<204800x64xf32, #tpu.memory_space<hbm>> -> memref<128x64xf32, #tpu.memory_space<hbm>>
        tpu.wait_dma2 semaphore(%run_scoped3A : memref<!tpu.dma_semaphore, #tpu.memory_space<semaphore_mem>>) src(%arg13 : memref<128x64xf32, #tpu.memory_space<vmem>>) dst(%dma_wait3A_48 : memref<128x64xf32, #tpu.memory_space<hbm>>)
        tpu.yield
      }) : () -> ()
      %scan3A_40 = arith.constant 0 : i32
      scf.yield %scan3A_40 : i32
    }
    %scan3A_23 = arith.constant 50 : i32
    return
  }
}

</mosaic_0001>

<sc_bundles>
// kernel: _collate.3.cloned.1.call-start
scs
__scs_entry_jumppad:
0x0: {  	(pc) =	sbr.rel $0x88, $3  }
0x1: {  	(tag) =	ssettag $0x0;
	lr =	simm.s32 $0x1  }
0x2: {  	[smem:$0x3F9A] =	sst lr;
	_ =	strace $0xD0000000  }
0x3: {  	_ = 	snop  }
0x4: {  	_ = 	snop  }
0x5: {  	_ = 	snop  }
0x6: {  	_ = 	snop  }
0x7: {  	_ = 	snop  }
__scs_overlays_trampoline_lowered:
0x8: {  	[smem:$0x3FA9] =	sst s0  }
0x9: {  	[smem:$0x3FAA] =	sst s1  }
0xa: {  	[smem:$0x3FAB] =	sst s2  }
0xb: {  	[smem:$0x3FAC] =	sst s3  }
0xc: {  	[smem:$0x3FAD] =	sst s4  }
0xd: {  	[smem:$0x3FAE] =	sst s5  }
0xe: {  	[smem:$0x3FAF] =	sst s6  }
0xf: {  	[smem:$0x3FB0] =	sst s7  }
0x10: {  	[smem:$0x3FB1] =	sst s8  }
0x11: {  	[smem:$0x3FB2] =	sst s9;
	s0 =	simm.s32 @!p0 $0x0  }
0x12: {  	s1 =	sld [smem:$0x3F98];
	s0 =	simm.s32 @p0 $0x1  }
0x13: {  	[smem:$0x3FB3] =	sst s0;
	s0 =	simm.s32 @!p1 $0x0  }
0x14: {  	s2 =	sld [smem:$0x3F97];
	s0 =	simm.s32 @p1 $0x1  }
0x15: {  	[smem:$0x3FB4] =	sst s0;
	s0 =	simm.s32 @!p2 $0x0  }
0x16: {  	s3 =	sld [smem:$0x3FDB];
	s0 =	simm.s32 @p2 $0x1  }
0x17: {  	s4 =	simm.s32 $0x1BF5;
	[smem:$0x3FB6] =	sst s0  }
0x18: {  	s0 =	sld [smem:$0x3F99];
	_ =	swait.ge [sflag:s4], $0x0  }
0x19: {  	s7 =	sld [smem:$0x3F9A]  }
0x1a: {  	s8 =	sadd.s32 $0xFFFFE003, lr  }
0x1b: {  	s9 =	sadd.s32 $0xFFFFFEF7, lr;
	s5 =	simm.s32 $0xFFFFFFFF;
	p2 =	slt.u32 s8, $0xFFFFF086  }
0x1c: {  	p1 =	slt.u32 s9, $0xF7A;
	s5 =	simm.s32 @!p2 $0x0  }
0x1d: {  	s5 =	simm.s32 @p1 $0x1;
	p0 =	seq.s32 s7, s2  }
0x1e: {  	s7 =	smul.u32 @!p0 $0xF7A, s2;
	p2 =	seq.s32 @!p0 s5, $0x0  }
0x1f: {  	s9 =	smul.u32 $0xF7A, s1;
	s8 =	simm.s32 @!p0 $0x1BF5;
	p2 =	por !p2, p0  }
0x20: {  	[sflag:s8] =	ssyncset.s32 @!p0 $0xFFFFF086;
	s6 =	sadd.s32 @!p0 s3, s7;
	s7 =	simm.s32 @!p0 $0x108  }
0x21: {  	s3 =	sadd.s32 s3, s9;
	s6 =	sadd.s32 @!p0 $0x88, s6;
	s7 =	simm.s32 @p2 $0x1082  }
0x22: {  	[simem:s7], [sflag:s8] =	dma.local @!p0 [hbm:s6], $0xF7A  }
0x23: {  	s9 =	sor.u32 $0xD0000000, s2;
	s6 =	simm.s32 $0x108;
	_ =	swait.ge @!p0 [sflag:s8], $0x0  }
0x24: {  	s3 =	sadd.s32 $0x88, s3;
	s6 =	simm.s32 @!p1 $0x1082;
	[sflag:s4] =	ssyncset.s32 $0xFFFFF086  }
0x25: {  	[simem:s6], [sflag:s4] =	dma.local [hbm:s3], $0xF7A  }
0x26: {  	[smem:$0x3F9A] =	sst s1;
	(tag) =	ssettag s2;
	_ =	strace s9  }
0x27: {  	s1 =	sld [smem:$0x3FAA]  }
0x28: {  	s2 =	sld [smem:$0x3FAB]  }
0x29: {  	s4 =	sld [smem:$0x3FAD]  }
0x2a: {  	p0 =	seq.s32 s5, $0x0;
	s5 =	sld [smem:$0x3FAE]  }
0x2b: {  	s6 =	sld [smem:$0x3FAF]  }
0x2c: {  	s7 =	sld [smem:$0x3FB0]  }
0x2d: {  	s3 =	simm.s32 $0x108;
	s8 =	sld [smem:$0x3FB1]  }
0x2e: {  	s3 =	simm.s32 @!p0 $0x1082;
	s9 =	sld [smem:$0x3FB2]  }
0x2f: {  	lr =	sadd.s32 s0, s3;
	s0 =	sld [smem:$0x3FA9]  }
0x30: {  	s3 =	sld [smem:$0x3FAC]  }
0x31: {  	[smem:$0x3FB5] =	sst s10  }
0x32: {  	s10 =	sld [smem:$0x3FB3];
	_ =	sdelay $0x3  }
0x33: {  	p0 =	seq.s32 s10, $0x1;
	s10 =	sld [smem:$0x3FB5];
	_ =	sdelay $0x3  }
0x34: {  	[smem:$0x3FB5] =	sst s10  }
0x35: {  	s10 =	sld [smem:$0x3FB4];
	_ =	sdelay $0x3  }
0x36: {  	p1 =	seq.s32 s10, $0x1;
	s10 =	sld [smem:$0x3FB5];
	_ =	sdelay $0x3  }
0x37: {  	[smem:$0x3FB5] =	sst s10  }
0x38: {  	s10 =	sld [smem:$0x3FB6]  }
0x39: {  	_ = 	snop;
	(pc) =	sbr.ind lr, $3  }
0x3a: {  	_ = 	snop  }
0x3b: {  	_ = 	snop  }
0x3c: {  	p2 =	seq.s32 s10, $0x1;
	s10 =	sld [smem:$0x3FB5]  }
0x3d: {  	_ =	shalt  }
0x3e: {  	_ =	shalt  }
0x3f: {  	_ =	shalt  }
0x40: {  	_ =	shalt  }
0x41: {  	_ =	shalt  }
0x42: {  	_ =	shalt  }
0x43: {  	_ =	shalt  }
0x44: {  	_ =	shalt  }
0x45: {  	_ =	shalt  }
0x46: {  	_ =	shalt  }
0x47: {  	_ =	shalt  }
0x48: {  	_ =	shalt  }
0x49: {  	_ =	shalt  }
0x4a: {  	_ =	shalt  }
0x4b: {  	_ =	shalt  }
0x4c: {  	_ =	shalt  }
0x4d: {  	_ =	shalt  }
0x4e: {  	_ =	shalt  }
0x4f: {  	_ =	shalt  }
0x50: {  	_ =	shalt  }
0x51: {  	_ =	shalt  }
0x52: {  	_ =	shalt  }
0x53: {  	_ =	shalt  }
0x54: {  	_ =	shalt  }
0x55: {  	_ =	shalt  }
0x56: {  	_ =	shalt  }
0x57: {  	_ =	shalt  }
0x58: {  	_ =	shalt  }
0x59: {  	_ =	shalt  }
0x5a: {  	_ =	shalt  }
0x5b: {  	_ =	shalt  }
0x5c: {  	_ =	shalt  }
0x5d: {  	_ =	shalt  }
0x5e: {  	_ =	shalt  }
0x5f: {  	_ =	shalt  }
0x60: {  	_ =	shalt  }
0x61: {  	_ =	shalt  }
0x62: {  	_ =	shalt  }
0x63: {  	_ =	shalt  }
0x64: {  	_ =	shalt  }
0x65: {  	_ =	shalt  }
0x66: {  	_ =	shalt  }
0x67: {  	_ =	shalt  }
0x68: {  	_ =	shalt  }
0x69: {  	_ =	shalt  }
0x6a: {  	_ =	shalt  }
0x6b: {  	_ =	shalt  }
0x6c: {  	_ =	shalt  }
0x6d: {  	_ =	shalt  }
0x6e: {  	_ =	shalt  }
0x6f: {  	_ =	shalt  }
0x70: {  	_ =	shalt  }
0x71: {  	_ =	shalt  }
0x72: {  	_ =	shalt  }
0x73: {  	_ =	shalt  }
0x74: {  	_ =	shalt  }
0x75: {  	_ =	shalt  }
0x76: {  	_ =	shalt  }
0x77: {  	_ =	shalt  }
0x78: {  	_ =	shalt  }
0x79: {  	_ =	shalt  }
0x7a: {  	_ =	shalt  }
0x7b: {  	_ =	shalt  }
0x7c: {  	_ =	shalt  }
0x7d: {  	_ =	shalt  }
0x7e: {  	_ =	shalt  }
0x7f: {  	_ =	shalt  }
0x80: {  	_ =	shalt  }
0x81: {  	_ =	shalt  }
0x82: {  	_ =	shalt  }
0x83: {  	_ =	shalt  }
0x84: {  	_ =	shalt  }
0x85: {  	_ =	shalt  }
0x86: {  	_ =	shalt  }
0x87: {  	_ =	shalt  }
.Lfunc_end0:
.L_simem_size_0:
called_computation.3_lowered:
.L_overlay_start_0:
0x88: {  	s2 =	sld [smem:$0x3FD9]  }
0x89: {  	s3 =	sld [smem:$0x3FFE];
	_ =	sdelay $0x1  }
0x8a: {  	s1 =	srdreg.scid  }
0x8b: {  	s0 =	sand.u32 $0x1, s1  }
0x8c: {  	s30 =	sshll.u32 s0, $0xA;
	s2 =	sadd.s32 s3, s2  }
0x8d: {  	s2 =	sadd.s32 s2, s30  }
0x8e: {  	[smem:$0x3FC1] =	sst s2  }
0x8f: {  	_ = 	snop  }
0x90: {  	s2 =	sld [smem:$0x3FC9]  }
0x91: {  	s31 =	sld [smem:$0x3FC8]  }
0x92: {  	s4 =	sld [smem:$0x3FC7]  }
0x93: {  	s5 =	sld [smem:$0x3FD0]  }
0x94: {  	s6 =	sld [smem:$0x3FC6]  }
0x95: {  	s7 =	sld [smem:$0x3FC5]  }
0x96: {  	s9 =	simm.s32 $0xC;
	s10 =	simm.s32 $0x10;
	s8 =	sld [smem:$0x3FC4]  }
0x97: {  	[smem:s10], [sflag:s9] =	dma.local [hbm:s5], $0x1  }
0x98: {  	_ =	swait.eq [sflag:s9], $0x1  }
0x99: {  	s16 =	sld [smem:$0x10];
	[sflag:s9] =	ssyncset.done $0x0  }
0x9a: {  	s17 =	sld [smem:$0x11];
	[sflag:s9] =	ssyncadd.s32 $0xFFFFFFFF  }
0x9b: {  	s18 =	sld [smem:$0x12];
	(tm) =	ssettm $0x1  }
0x9c: {  	s11 =	sld [smem:$0x3FFB];
	_ =	sdelay $0x3  }
0x9d: {  	_ =	strace s11  }
0x9e: {  	s11 =	sld [smem:$0x3FFC];
	_ =	sdelay $0x3  }
0x9f: {  	_ =	strace s11  }
0xa0: {  	s11 =	sld [smem:$0x3FFD];
	_ =	sdelay $0x3  }
0xa1: {  	_ =	strace s11  }
0xa2: {  	_ =	strace $0x8FFFFFFF  }
0xa3: {  	s19 =	sld [smem:$0x3FDB];
	_ =	sdelay $0x1  }
0xa4: {  	s12 =	simm.s32 $_scs_section_size  }
0xa5: {  	s13 =	simm.s32 $_size__tile_overlayer_lowered;
	s14 =	simm.s32 $_tile_overlayer_lowered  }
0xa6: {  	s22 =	simm.s32 $0x1BFF;
	s21 =	sshll.u32 s14, $0x1;
	s11 =	sadd.s32 s12, s19  }
0xa7: {  	s15 =	simm.s32 $0x0;
	s20 =	sshll.u32 s13, $0x1;
	s13 =	sadd.s32 s21, s11  }
0xa8: {  	[timem:s15], [sflag:s22] =	dma.local [hbm:s13], s20  }
0xa9: {  	_ =	swait.ge [sflag:s22], s20  }
0xaa: {  	s12 =	ssub.s32 $0x0, s20;
	[sflag:s22] =	ssyncset.done $0x0  }
0xab: {  	[sflag:s22] =	ssyncadd.s32 s12;
	_ =	sdelay $0x1  }
0xac: {  	s23 =	simm.s32 $0x1B8B  }
0xad: {  	_ =	swait.ge [sflag:s23], $0x1  }
0xae: {  	[sflag:s23] =	ssyncset.done $0x0  }
0xaf: {  	s25 =	simm.s32 $0x1B8E;
	s24 =	sld [smem:$0x3FFE];
	[sflag:s23] =	ssyncadd.s32 $0xFFFFFFFF  }
0xb0: {  	s26 =	simm.s32 $execute0_lowered;
	[smem:$0x3FD2] =	sst s25  }
0xb1: {  	s13 =	sshll.u32 s26, $0x1;
	_ =	strace $0x80000046;
	[dreg:$0x1] =	wrdreg $0xFFFFFFFF  }
0xb2: {  	s28 =	simm.s32 $_size_execute0_lowered;
	s11 =	sadd.s32 s11, s13;
	[dreg:$0x0] =	wrdreg $0x0  }
0xb3: {  	s13 =	sshll.u32 s28, $0x1;
	[dreg:$0x2] =	wrdreg s11  }
0xb4: {  	[dreg:$0x3] =	wrdreg s13  }
0xb5: {  	[dreg:$0x4] =	wrdreg $0xC0  }
0xb6: {  	_ =	task [dreg:s15], $0x5FFFF  }
0xb7: {  	[dreg:$0x1] =	wrdreg $0xFFFFFFFF  }
0xb8: {  	[dreg:$0x0] =	wrdreg $0x60  }
0xb9: {  	[dreg:$0x2] =	wrdreg s2  }
0xba: {  	[dreg:$0x3] =	wrdreg s31  }
0xbb: {  	[dreg:$0x4] =	wrdreg s4  }
0xbc: {  	[dreg:$0x5] =	wrdreg s6  }
0xbd: {  	[dreg:$0x6] =	wrdreg s7  }
0xbe: {  	[dreg:$0x7] =	wrdreg s8  }
0xbf: {  	[dreg:$0x8] =	wrdreg s24  }
0xc0: {  	[dreg:$0x9] =	wrdreg s16  }
0xc1: {  	[dreg:$0xa] =	wrdreg s17  }
0xc2: {  	[dreg:$0xb] =	wrdreg s18  }
0xc3: {  	[dreg:$0xc] =	wrdreg $0x9  }
0xc4: {  	_ =	task.clear_ibuf [dreg:s15], $0xDFFFF;
	_ =	strace $0x90000046  }
0xc5: {  	s29 =	simm.s32 $0x9;
	_ =	strace $0x80000048  }
0xc6: {  	_ =	swait.ge [sflag:s29], $0x1  }
0xc7: {  	[sflag:s29] =	ssyncadd.s32 $0xFFFFFFFF  }
0xc8: {  	_ =	strace $0x90000048  }
0xc9: {  	_ =	sfence  }
0xca: {  	s30 =	sld [smem:$0x0];
	_ =	sdelay $0x2  }
0xcb: {  	s31 =	sshll.u32 s1, $0xD;
	s1 =	sshrl.u32 s1, $0x2  }
0xcc: {  	s3 =	sand.u32 $0x4000, s31;
	s1 =	sadd.s32 s1, s30  }
0xcd: {  	s0 =	sor.u32 s3, s0;
	s1 =	sshll.u32 s1, $0x11  }
0xce: {  	s0 =	sor.u32 s1, s0  }
0xcf: {  	s0 =	sadd.s32 $0x8F2B, s0  }
0xd0: {  	[sflag:s0] =	ssyncadd.remote.s32 $0x1  }
0xd1: {  	_ =	sfence.sel $0xFFFF  }
0xd2: {  	[dreg:$0x0] =	wrdreg $0xFFFFFFFF;
	(pc) =	sbr.abs _section_cstart, $3  }
0xd3: {  	[dreg:$0x1] =	wrdreg $0xFFFFFFFF  }
0xd4: {  	_ =	task.clear_ibuf [dreg:s15], $0x2FFFF;
	_ =	strace $0x9FFFFFFF  }
0xd5: {  	(tm) =	ssettm $0x7FFFFFFF  }
tec
execute0_lowered:
.L_overlay_start_1:
0x0: {  	(tag) =	ssettag $0x1  }
0x1: {  	s0 =	rddreg [dreg:$0x0]  }
0x2: {  	s1 =	rddreg [dreg:$0x1]  }
0x3: {  	s2 =	rddreg [dreg:$0x2]  }
0x4: {  	s3 =	rddreg [dreg:$0x3]  }
0x5: {  	s5 =	rddreg [dreg:$0x4]  }
0x6: {  	s6 =	rddreg [dreg:$0x5]  }
0x7: {  	s12 =	rddreg [dreg:$0x6]  }
0x8: {  	s7 =	rddreg [dreg:$0x7]  }
0x9: {  	s8 =	rddreg [dreg:$0x8]  }
0xa: {  	s10 =	rddreg [dreg:$0x9]  }
0xb: {  	s4 =	rddreg [dreg:$0xa];
	s13 =	srdreg.scid;
	s11 =	simm.s32 $0x0  }
0xc: {  	s9 =	stileid.u32;
	s17 =	simm.s32 $0x80;
	s18 =	simm.s32 $0x1  }
.Ltmp0:
0xd: {  	s19 =	simm.s32 $0x0;
	s13 =	sand.u32 $0x1, s13;
	(pc) =	sbr.rel .LBB2_1-.Ltmp0, $4  }
0xe: {  	[smem:$0x7FF] =	sst s11;
	s15 =	sshll.u32 s9, $0x1;
	s14 =	ssub.s32 $0x2, s13  }
0xf: {  	s12 =	sadd.s32 $0xF43800, s12;
	_ =	strace $0x80000047;
	s16 =	sshrl.u32 s14, $0x1  }
0x10: {  	v0 =	vlaneseq.u32;
	s13 =	sor.u32 s13, s15;
	s15 =	simm.s32 $0x2080;
	s14 =	ssub.s32 s14, s16  }
0x11: {  	v1 =	vimm.f32 $0.0e+00;
	v2 =	vmul.u32 $0x40, v0;
	s13 =	smul.u32 $0x1900, s13;
	s16 =	simm.s32 $0x2;
	s14 =	smax.u32 s14, $0x1  }
.LBB2_19:
0x12: {  	s19 =	sadd.s32 $0x1, s19  }
0x13: {  	p0 =	sne.s32 s19, s14  }
.Ltmp1:
0x14: {  	_ = 	snop;
	(pc) =	sbr.rel @!p0 .LBB2_20-.Ltmp1, $1  }
0x15: {  	_ =	sdelay $0x3  }
.LBB2_1:
.Ltmp2:
0x16: {  	(pc) =	sbr.rel .LBB2_2-.Ltmp2, $4  }
0x17: {  	[tilespmem:s15], [sflag:$0x2] =	stream.linear.gather [hbm4b:s3+s11], $0x400, $0x38;
	[tilespmem:$0x2480] =	vst v63  }
0x18: {  	_ =	swait.ge [sflag:s16], $0x400  }
0x19: {  	[sflag:s16] =	ssyncset.done $0x0  }
0x1a: {  	s20 =	simm.s32 $0x0;
	[sflag:s16] =	ssyncadd.s32 $0xFFFFFC00  }
.LBB2_6:
0x1b: {  	s20 =	sadd.s32 $0x1, s20  }
0x1c: {  	s21 =	sshll.u32 s21, $0x3;
	p0 =	sne.s32 s20, $0x32  }
.Ltmp3:
0x1d: {  	s21 =	sadd.s32 s7, s21;
	(pc) =	sbr.rel @!p0 .LBB2_7-.Ltmp3, $4  }
0x1e: {  	[hbm4b:s21+s11] =	stream.linear.scatter [tilespmem:s17], [sflag:$0x2], $0x2000, $0x38;
	[tilespmem:$0x2480] =	vst v63  }
0x1f: {  	_ =	swait.ge [sflag:s16], $0x2000  }
0x20: {  	[sflag:s16] =	ssyncset.done $0x0  }
0x21: {  	[sflag:s16] =	ssyncadd.s32 $0xFFFFE000  }
.LBB2_2:
0x22: {  	s21 =	sshll.u32 s20, $0x7  }
0x23: {  	s21 =	sadd.s32 s13, s21  }
0x24: {  	s22 =	sshrl.u32 s21, $0x3  }
0x25: {  	s23 =	sadd.s32 s0, s22;
	s22 =	simm.s32 $0x0  }
0x26: {  	[tilespmem:s22], [sflag:$0x2] =	stream.linear.gather [hbm4b:s23+s22], $0x80, $0x38;
	[tilespmem:$0x2480] =	vst v63  }
0x27: {  	_ =	swait.ge [sflag:s16], $0x80  }
0x28: {  	[sflag:s16] =	ssyncset.done $0x0  }
.Ltmp4:
0x29: {  	[sflag:s16] =	ssyncadd.s32 $0xFFFFFF80;
	(pc) =	sbr.rel .LBB2_3-.Ltmp4, $4  }
0x2a: {  	[tilespmem:s17], [sflag:$0x1] =	stream.indirect.gather [hbm4b:s12+s17], $0x40, s22, s17, $0xb8;
	[tilespmem:$0x2480] =	vst v63  }
0x2b: {  	_ =	swait.ge [sflag:s18], $0x2000  }
0x2c: {  	[sflag:s18] =	ssyncset.done $0x0  }
0x2d: {  	v3 =	vor.u32 s21, v0;
	[sflag:s18] =	ssyncadd.s32 $0xFFFFE000  }
.LBB2_5:
0x2e: {  	s22 =	sadd.s32 $0x10, s22  }
0x2f: {  	p0 =	sne.s32 s22, $0x80  }
.Ltmp5:
0x30: {  	_ = 	snop;
	(pc) =	sbr.rel @!p0 .LBB2_6-.Ltmp5, $1  }
0x31: {  	_ =	sdelay $0x3  }
.LBB2_3:
0x32: {  	v4 =	vor.u32 s22, v3  }
0x33: {  	v5 =	vmulhi.u32 $0x51EB851F, v4;
	_ =	sdelay $0x1  }
0x34: {  	v5 =	vshrl.u32 v5, $0x6;
	_ =	sdelay $0x4  }
0x35: {  	v6 =	vld.idx.msk [tilespmem:v5+s15+$0x0], $0xffff;
	_ =	sdelay $0x1  }
0x36: {  	v5 =	vmul.u32 $0xFFFFFF38, v5;
	_ =	sdelay $0x1  }
0x37: {  	v4 =	vadd.s32 v4, v5  }
0x38: {  	vm0 =	vge.s32 v4, v6  }
0x39: {  	v4 =	vsel vm0, $0x3F800000, v1  }
0x3a: {  	(xrf0) =	vmax.scan.msk.f32 $0xffff, v4;
	_ =	sdelay $0x5  }
0x3b: {  	v4, _, _ =	vpop (xrf0)  }
0x3c: {  	(v2sf) =	vpush v4, $0xF;
	_ =	sdelay $0xe  }
0x3d: {  	s23 =	spop (v2sf)  }
0x3e: {  	p0 =	sgt.f32 s23, $0.0e+00  }
.Ltmp6:
0x3f: {  	_ = 	snop;
	(pc) =	sbr.rel @!p0 .LBB2_5-.Ltmp6, $1  }
0x40: {  	_ =	sdelay $0x3  }
0x41: {  	v4 =	vmov s22  }
0x42: {  	v4 =	vshll.u32 v4, $0x6  }
0x43: {  	v4 =	vor.u32 v2, v4  }
0x44: {  	v5 =	vor.u32 $0x1, v4  }
0x45: {  	v6 =	vor.u32 $0x2, v4  }
0x46: {  	v7 =	vor.u32 $0x3, v4  }
0x47: {  	v8 =	vor.u32 $0x4, v4  }
0x48: {  	v9 =	vor.u32 $0x5, v4;
	[tilespmem:v4+s17+$0x0] =	vst.idx.msk vm0, v1  }
0x49: {  	[tilespmem:v5+s17+$0x0] =	vst.idx.msk vm0, v1;
	v5 =	vor.u32 $0x6, v4  }
0x4a: {  	v19 =	vor.u32 $0x7, v4;
	[tilespmem:v6+s17+$0x0] =	vst.idx.msk vm0, v1  }
0x4b: {  	v20 =	vor.u32 $0x8, v4;
	[tilespmem:v7+s17+$0x0] =	vst.idx.msk vm0, v1  }
0x4c: {  	v21 =	vor.u32 $0x9, v4;
	[tilespmem:v8+s17+$0x0] =	vst.idx.msk vm0, v1  }
0x4d: {  	v22 =	vor.u32 $0xA, v4;
	[tilespmem:v9+s17+$0x0] =	vst.idx.msk vm0, v1  }
0x4e: {  	[tilespmem:v5+s17+$0x0] =	vst.idx.msk vm0, v1;
	v5 =	vor.u32 $0xB, v4  }
0x4f: {  	v23 =	vor.u32 $0xC, v4;
	[tilespmem:v19+s17+$0x0] =	vst.idx.msk vm0, v1  }
0x50: {  	v24 =	vor.u32 $0xD, v4;
	[tilespmem:v20+s17+$0x0] =	vst.idx.msk vm0, v1  }
0x51: {  	v25 =	vor.u32 $0xE, v4;
	[tilespmem:v21+s17+$0x0] =	vst.idx.msk vm0, v1  }
0x52: {  	v26 =	vor.u32 $0xF, v4;
	[tilespmem:v22+s17+$0x0] =	vst.idx.msk vm0, v1  }
0x53: {  	[tilespmem:v5+s17+$0x0] =	vst.idx.msk vm0, v1;
	v5 =	vor.u32 $0x10, v4  }
0x54: {  	v27 =	vor.u32 $0x11, v4;
	[tilespmem:v23+s17+$0x0] =	vst.idx.msk vm0, v1  }
0x55: {  	v28 =	vor.u32 $0x12, v4;
	[tilespmem:v24+s17+$0x0] =	vst.idx.msk vm0, v1  }
0x56: {  	v29 =	vor.u32 $0x13, v4;
	[tilespmem:v25+s17+$0x0] =	vst.idx.msk vm0, v1  }
0x57: {  	v30 =	vor.u32 $0x14, v4;
	[tilespmem:v26+s17+$0x0] =	vst.idx.msk vm0, v1  }
0x58: {  	[tilespmem:v5+s17+$0x0] =	vst.idx.msk vm0, v1;
	v5 =	vor.u32 $0x15, v4  }
0x59: {  	v31 =	vor.u32 $0x16, v4;
	[tilespmem:v27+s17+$0x0] =	vst.idx.msk vm0, v1  }
0x5a: {  	v32 =	vor.u32 $0x17, v4;
	[tilespmem:v28+s17+$0x0] =	vst.idx.msk vm0, v1  }
0x5b: {  	v33 =	vor.u32 $0x18, v4;
	[tilespmem:v29+s17+$0x0] =	vst.idx.msk vm0, v1  }
0x5c: {  	v34 =	vor.u32 $0x19, v4;
	[tilespmem:v30+s17+$0x0] =	vst.idx.msk vm0, v1  }
0x5d: {  	[tilespmem:v5+s17+$0x0] =	vst.idx.msk vm0, v1;
	v5 =	vor.u32 $0x1A, v4  }
0x5e: {  	v35 =	vor.u32 $0x1B, v4;
	[tilespmem:v31+s17+$0x0] =	vst.idx.msk vm0, v1  }
0x5f: {  	v36 =	vor.u32 $0x1C, v4;
	[tilespmem:v32+s17+$0x0] =	vst.idx.msk vm0, v1  }
0x60: {  	v37 =	vor.u32 $0x1D, v4;
	[tilespmem:v33+s17+$0x0] =	vst.idx.msk vm0, v1  }
0x61: {  	v38 =	vor.u32 $0x1E, v4;
	[tilespmem:v34+s17+$0x0] =	vst.idx.msk vm0, v1  }
0x62: {  	[tilespmem:v5+s17+$0x0] =	vst.idx.msk vm0, v1;
	v5 =	vor.u32 $0x1F, v4  }
0x63: {  	v39 =	vor.u32 $0x20, v4;
	[tilespmem:v35+s17+$0x0] =	vst.idx.msk vm0, v1  }
0x64: {  	v40 =	vor.u32 $0x21, v4;
	[tilespmem:v36+s17+$0x0] =	vst.idx.msk vm0, v1  }
0x65: {  	v41 =	vor.u32 $0x22, v4;
	[tilespmem:v37+s17+$0x0] =	vst.idx.msk vm0, v1  }
0x66: {  	v42 =	vor.u32 $0x23, v4;
	[tilespmem:v38+s17+$0x0] =	vst.idx.msk vm0, v1  }
0x67: {  	[tilespmem:v5+s17+$0x0] =	vst.idx.msk vm0, v1;
	v5 =	vor.u32 $0x24, v4  }
0x68: {  	v43 =	vor.u32 $0x25, v4;
	[tilespmem:v39+s17+$0x0] =	vst.idx.msk vm0, v1  }
0x69: {  	v44 =	vor.u32 $0x26, v4;
	[tilespmem:v40+s17+$0x0] =	vst.idx.msk vm0, v1  }
0x6a: {  	v45 =	vor.u32 $0x27, v4;
	[tilespmem:v41+s17+$0x0] =	vst.idx.msk vm0, v1  }
0x6b: {  	v46 =	vor.u32 $0x28, v4;
	[tilespmem:v42+s17+$0x0] =	vst.idx.msk vm0, v1  }
0x6c: {  	[tilespmem:v5+s17+$0x0] =	vst.idx.msk vm0, v1;
	v5 =	vor.u32 $0x29, v4  }
0x6d: {  	v47 =	vor.u32 $0x2A, v4;
	[tilespmem:v43+s17+$0x0] =	vst.idx.msk vm0, v1  }
0x6e: {  	v48 =	vor.u32 $0x2B, v4;
	[tilespmem:v44+s17+$0x0] =	vst.idx.msk vm0, v1  }
0x6f: {  	v49 =	vor.u32 $0x2C, v4;
	[tilespmem:v45+s17+$0x0] =	vst.idx.msk vm0, v1  }
0x70: {  	v50 =	vor.u32 $0x2D, v4;
	[tilespmem:v46+s17+$0x0] =	vst.idx.msk vm0, v1  }
0x71: {  	[tilespmem:v5+s17+$0x0] =	vst.idx.msk vm0, v1;
	v5 =	vor.u32 $0x2E, v4  }
0x72: {  	v51 =	vor.u32 $0x2F, v4;
	[tilespmem:v47+s17+$0x0] =	vst.idx.msk vm0, v1  }
0x73: {  	v52 =	vor.u32 $0x30, v4;
	[tilespmem:v48+s17+$0x0] =	vst.idx.msk vm0, v1  }
0x74: {  	v53 =	vor.u32 $0x31, v4;
	[tilespmem:v49+s17+$0x0] =	vst.idx.msk vm0, v1  }
0x75: {  	v54 =	vor.u32 $0x32, v4;
	[tilespmem:v50+s17+$0x0] =	vst.idx.msk vm0, v1  }
0x76: {  	[tilespmem:v5+s17+$0x0] =	vst.idx.msk vm0, v1;
	v5 =	vor.u32 $0x33, v4  }
0x77: {  	v55 =	vor.u32 $0x34, v4;
	[tilespmem:v51+s17+$0x0] =	vst.idx.msk vm0, v1  }
0x78: {  	v56 =	vor.u32 $0x35, v4;
	[tilespmem:v52+s17+$0x0] =	vst.idx.msk vm0, v1  }
0x79: {  	v57 =	vor.u32 $0x36, v4;
	[tilespmem:v53+s17+$0x0] =	vst.idx.msk vm0, v1  }
0x7a: {  	v58 =	vor.u32 $0x37, v4;
	[tilespmem:v54+s17+$0x0] =	vst.idx.msk vm0, v1  }
0x7b: {  	[tilespmem:v5+s17+$0x0] =	vst.idx.msk vm0, v1;
	v5 =	vor.u32 $0x38, v4  }
0x7c: {  	v59 =	vor.u32 $0x39, v4;
	[tilespmem:v55+s17+$0x0] =	vst.idx.msk vm0, v1  }
0x7d: {  	v60 =	vor.u32 $0x3A, v4;
	[tilespmem:v56+s17+$0x0] =	vst.idx.msk vm0, v1  }
0x7e: {  	v61 =	vor.u32 $0x3B, v4;
	[tilespmem:v57+s17+$0x0] =	vst.idx.msk vm0, v1  }
0x7f: {  	v62 =	vor.u32 $0x3C, v4;
	[tilespmem:v58+s17+$0x0] =	vst.idx.msk vm0, v1  }
0x80: {  	[tilespmem:v5+s17+$0x0] =	vst.idx.msk vm0, v1;
	v5 =	vor.u32 $0x3D, v4  }
0x81: {  	v63 =	vor.u32 $0x3E, v4;
	[tilespmem:v59+s17+$0x0] =	vst.idx.msk vm0, v1  }
0x82: {  	v4 =	vor.u32 $0x3F, v4;
	[tilespmem:v60+s17+$0x0] =	vst.idx.msk vm0, v1  }
.Ltmp7:
0x83: {  	[tilespmem:v61+s17+$0x0] =	vst.idx.msk vm0, v1;
	(pc) =	sbr.rel .LBB2_5-.Ltmp7, $4  }
0x84: {  	[tilespmem:v62+s17+$0x0] =	vst.idx.msk vm0, v1  }
0x85: {  	[tilespmem:v5+s17+$0x0] =	vst.idx.msk vm0, v1  }
0x86: {  	[tilespmem:v63+s17+$0x0] =	vst.idx.msk vm0, v1  }
0x87: {  	[tilespmem:v4+s17+$0x0] =	vst.idx.msk vm0, v1  }
.LBB2_7:
.Ltmp8:
0x88: {  	s20 =	simm.s32 $0x0;
	(pc) =	sbr.rel .LBB2_8-.Ltmp8, $4  }
0x89: {  	[tilespmem:s15], [sflag:$0x2] =	stream.linear.gather [hbm4b:s5+s20], $0x400, $0x38;
	[tilespmem:$0x2480] =	vst v63  }
0x8a: {  	_ =	swait.ge [sflag:s16], $0x400  }
0x8b: {  	[sflag:s16] =	ssyncset.done $0x0  }
0x8c: {  	s21 =	simm.s32 $0x0;
	[sflag:s16] =	ssyncadd.s32 $0xFFFFFC00  }
.LBB2_12:
0x8d: {  	s21 =	sadd.s32 $0x1, s21  }
0x8e: {  	s22 =	sshll.u32 s22, $0x3;
	p0 =	sne.s32 s21, $0x32  }
.Ltmp9:
0x8f: {  	s22 =	sadd.s32 s8, s22;
	(pc) =	sbr.rel @!p0 .LBB2_13-.Ltmp9, $4  }
0x90: {  	[hbm4b:s22+s11] =	stream.linear.scatter [tilespmem:s17], [sflag:$0x2], $0x2000, $0x38;
	[tilespmem:$0x2480] =	vst v63  }
0x91: {  	_ =	swait.ge [sflag:s16], $0x2000  }
0x92: {  	[sflag:s16] =	ssyncset.done $0x0  }
0x93: {  	[sflag:s16] =	ssyncadd.s32 $0xFFFFE000  }
.LBB2_8:
0x94: {  	s22 =	sshll.u32 s21, $0x7  }
0x95: {  	s22 =	sadd.s32 s13, s22  }
0x96: {  	s23 =	sshrl.u32 s22, $0x3  }
0x97: {  	s23 =	sadd.s32 s1, s23  }
0x98: {  	[tilespmem:s20], [sflag:$0x2] =	stream.linear.gather [hbm4b:s23+s20], $0x80, $0x38;
	[tilespmem:$0x2480] =	vst v63  }
0x99: {  	_ =	swait.ge [sflag:s16], $0x80  }
0x9a: {  	[sflag:s16] =	ssyncset.done $0x0  }
.Ltmp10:
0x9b: {  	[sflag:s16] =	ssyncadd.s32 $0xFFFFFF80;
	(pc) =	sbr.rel .LBB2_9-.Ltmp10, $4  }
0x9c: {  	[tilespmem:s17], [sflag:$0x1] =	stream.indirect.gather [hbm4b:s12+s17], $0x40, s20, s17, $0xb8;
	[tilespmem:$0x2480] =	vst v63  }
0x9d: {  	_ =	swait.ge [sflag:s18], $0x2000  }
0x9e: {  	[sflag:s18] =	ssyncset.done $0x0  }
0x9f: {  	v3 =	vor.u32 s22, v0;
	s23 =	simm.s32 $0x0;
	[sflag:s18] =	ssyncadd.s32 $0xFFFFE000  }
.LBB2_11:
0xa0: {  	s23 =	sadd.s32 $0x10, s23  }
0xa1: {  	p0 =	sne.s32 s23, $0x80  }
.Ltmp11:
0xa2: {  	_ = 	snop;
	(pc) =	sbr.rel @!p0 .LBB2_12-.Ltmp11, $1  }
0xa3: {  	_ =	sdelay $0x3  }
.LBB2_9:
0xa4: {  	v4 =	vor.u32 s23, v3  }
0xa5: {  	v5 =	vmulhi.u32 $0x51EB851F, v4;
	_ =	sdelay $0x1  }
0xa6: {  	v5 =	vshrl.u32 v5, $0x6;
	_ =	sdelay $0x4  }
0xa7: {  	v6 =	vld.idx.msk [tilespmem:v5+s15+$0x0], $0xffff;
	_ =	sdelay $0x1  }
0xa8: {  	v5 =	vmul.u32 $0xFFFFFF38, v5;
	_ =	sdelay $0x1  }
0xa9: {  	v4 =	vadd.s32 v4, v5  }
0xaa: {  	vm0 =	vge.s32 v4, v6  }
0xab: {  	v4 =	vsel vm0, $0x3F800000, v1  }
0xac: {  	(xrf0) =	vmax.scan.msk.f32 $0xffff, v4;
	_ =	sdelay $0x5  }
0xad: {  	v4, _, _ =	vpop (xrf0)  }
0xae: {  	(v2sf) =	vpush v4, $0xF;
	_ =	sdelay $0xe  }
0xaf: {  	s24 =	spop (v2sf)  }
0xb0: {  	p0 =	sgt.f32 s24, $0.0e+00  }
.Ltmp12:
0xb1: {  	_ = 	snop;
	(pc) =	sbr.rel @!p0 .LBB2_11-.Ltmp12, $1  }
0xb2: {  	_ =	sdelay $0x3  }
0xb3: {  	v4 =	vmov s23  }
0xb4: {  	v4 =	vshll.u32 v4, $0x6  }
0xb5: {  	v4 =	vor.u32 v2, v4  }
0xb6: {  	v5 =	vor.u32 $0x1, v4  }
0xb7: {  	v6 =	vor.u32 $0x2, v4  }
0xb8: {  	v7 =	vor.u32 $0x3, v4  }
0xb9: {  	v8 =	vor.u32 $0x4, v4  }
0xba: {  	v9 =	vor.u32 $0x5, v4;
	[tilespmem:v4+s17+$0x0] =	vst.idx.msk vm0, v1  }
0xbb: {  	[tilespmem:v5+s17+$0x0] =	vst.idx.msk vm0, v1;
	v5 =	vor.u32 $0x6, v4  }
0xbc: {  	v19 =	vor.u32 $0x7, v4;
	[tilespmem:v6+s17+$0x0] =	vst.idx.msk vm0, v1  }
0xbd: {  	v20 =	vor.u32 $0x8, v4;
	[tilespmem:v7+s17+$0x0] =	vst.idx.msk vm0, v1  }
0xbe: {  	v21 =	vor.u32 $0x9, v4;
	[tilespmem:v8+s17+$0x0] =	vst.idx.msk vm0, v1  }
0xbf: {  	v22 =	vor.u32 $0xA, v4;
	[tilespmem:v9+s17+$0x0] =	vst.idx.msk vm0, v1  }
0xc0: {  	[tilespmem:v5+s17+$0x0] =	vst.idx.msk vm0, v1;
	v5 =	vor.u32 $0xB, v4  }
0xc1: {  	v23 =	vor.u32 $0xC, v4;
	[tilespmem:v19+s17+$0x0] =	vst.idx.msk vm0, v1  }
0xc2: {  	v24 =	vor.u32 $0xD, v4;
	[tilespmem:v20+s17+$0x0] =	vst.idx.msk vm0, v1  }
0xc3: {  	v25 =	vor.u32 $0xE, v4;
	[tilespmem:v21+s17+$0x0] =	vst.idx.msk vm0, v1  }
0xc4: {  	v26 =	vor.u32 $0xF, v4;
	[tilespmem:v22+s17+$0x0] =	vst.idx.msk vm0, v1  }
0xc5: {  	[tilespmem:v5+s17+$0x0] =	vst.idx.msk vm0, v1;
	v5 =	vor.u32 $0x10, v4  }
0xc6: {  	v27 =	vor.u32 $0x11, v4;
	[tilespmem:v23+s17+$0x0] =	vst.idx.msk vm0, v1  }
0xc7: {  	v28 =	vor.u32 $0x12, v4;
	[tilespmem:v24+s17+$0x0] =	vst.idx.msk vm0, v1  }
0xc8: {  	v29 =	vor.u32 $0x13, v4;
	[tilespmem:v25+s17+$0x0] =	vst.idx.msk vm0, v1  }
0xc9: {  	v30 =	vor.u32 $0x14, v4;
	[tilespmem:v26+s17+$0x0] =	vst.idx.msk vm0, v1  }
0xca: {  	[tilespmem:v5+s17+$0x0] =	vst.idx.msk vm0, v1;
	v5 =	vor.u32 $0x15, v4  }
0xcb: {  	v31 =	vor.u32 $0x16, v4;
	[tilespmem:v27+s17+$0x0] =	vst.idx.msk vm0, v1  }
0xcc: {  	v32 =	vor.u32 $0x17, v4;
	[tilespmem:v28+s17+$0x0] =	vst.idx.msk vm0, v1  }
0xcd: {  	v33 =	vor.u32 $0x18, v4;
	[tilespmem:v29+s17+$0x0] =	vst.idx.msk vm0, v1  }
0xce: {  	v34 =	vor.u32 $0x19, v4;
	[tilespmem:v30+s17+$0x0] =	vst.idx.msk vm0, v1  }
0xcf: {  	[tilespmem:v5+s17+$0x0] =	vst.idx.msk vm0, v1;
	v5 =	vor.u32 $0x1A, v4  }
0xd0: {  	v35 =	vor.u32 $0x1B, v4;
	[tilespmem:v31+s17+$0x0] =	vst.idx.msk vm0, v1  }
0xd1: {  	v36 =	vor.u32 $0x1C, v4;
	[tilespmem:v32+s17+$0x0] =	vst.idx.msk vm0, v1  }
0xd2: {  	v37 =	vor.u32 $0x1D, v4;
	[tilespmem:v33+s17+$0x0] =	vst.idx.msk vm0, v1  }
0xd3: {  	v38 =	vor.u32 $0x1E, v4;
	[tilespmem:v34+s17+$0x0] =	vst.idx.msk vm0, v1  }
0xd4: {  	[tilespmem:v5+s17+$0x0] =	vst.idx.msk vm0, v1;
	v5 =	vor.u32 $0x1F, v4  }
0xd5: {  	v39 =	vor.u32 $0x20, v4;
	[tilespmem:v35+s17+$0x0] =	vst.idx.msk vm0, v1  }
0xd6: {  	v40 =	vor.u32 $0x21, v4;
	[tilespmem:v36+s17+$0x0] =	vst.idx.msk vm0, v1  }
0xd7: {  	v41 =	vor.u32 $0x22, v4;
	[tilespmem:v37+s17+$0x0] =	vst.idx.msk vm0, v1  }
0xd8: {  	v42 =	vor.u32 $0x23, v4;
	[tilespmem:v38+s17+$0x0] =	vst.idx.msk vm0, v1  }
0xd9: {  	[tilespmem:v5+s17+$0x0] =	vst.idx.msk vm0, v1;
	v5 =	vor.u32 $0x24, v4  }
0xda: {  	v43 =	vor.u32 $0x25, v4;
	[tilespmem:v39+s17+$0x0] =	vst.idx.msk vm0, v1  }
0xdb: {  	v44 =	vor.u32 $0x26, v4;
	[tilespmem:v40+s17+$0x0] =	vst.idx.msk vm0, v1  }
0xdc: {  	v45 =	vor.u32 $0x27, v4;
	[tilespmem:v41+s17+$0x0] =	vst.idx.msk vm0, v1  }
0xdd: {  	v46 =	vor.u32 $0x28, v4;
	[tilespmem:v42+s17+$0x0] =	vst.idx.msk vm0, v1  }
0xde: {  	[tilespmem:v5+s17+$0x0] =	vst.idx.msk vm0, v1;
	v5 =	vor.u32 $0x29, v4  }
0xdf: {  	v47 =	vor.u32 $0x2A, v4;
	[tilespmem:v43+s17+$0x0] =	vst.idx.msk vm0, v1  }
0xe0: {  	v48 =	vor.u32 $0x2B, v4;
	[tilespmem:v44+s17+$0x0] =	vst.idx.msk vm0, v1  }
0xe1: {  	v49 =	vor.u32 $0x2C, v4;
	[tilespmem:v45+s17+$0x0] =	vst.idx.msk vm0, v1  }
0xe2: {  	v50 =	vor.u32 $0x2D, v4;
	[tilespmem:v46+s17+$0x0] =	vst.idx.msk vm0, v1  }
0xe3: {  	[tilespmem:v5+s17+$0x0] =	vst.idx.msk vm0, v1;
	v5 =	vor.u32 $0x2E, v4  }
0xe4: {  	v51 =	vor.u32 $0x2F, v4;
	[tilespmem:v47+s17+$0x0] =	vst.idx.msk vm0, v1  }
0xe5: {  	v52 =	vor.u32 $0x30, v4;
	[tilespmem:v48+s17+$0x0] =	vst.idx.msk vm0, v1  }
0xe6: {  	v53 =	vor.u32 $0x31, v4;
	[tilespmem:v49+s17+$0x0] =	vst.idx.msk vm0, v1  }
0xe7: {  	v54 =	vor.u32 $0x32, v4;
	[tilespmem:v50+s17+$0x0] =	vst.idx.msk vm0, v1  }
0xe8: {  	[tilespmem:v5+s17+$0x0] =	vst.idx.msk vm0, v1;
	v5 =	vor.u32 $0x33, v4  }
0xe9: {  	v55 =	vor.u32 $0x34, v4;
	[tilespmem:v51+s17+$0x0] =	vst.idx.msk vm0, v1  }
0xea: {  	v56 =	vor.u32 $0x35, v4;
	[tilespmem:v52+s17+$0x0] =	vst.idx.msk vm0, v1  }
0xeb: {  	v57 =	vor.u32 $0x36, v4;
	[tilespmem:v53+s17+$0x0] =	vst.idx.msk vm0, v1  }
0xec: {  	v58 =	vor.u32 $0x37, v4;
	[tilespmem:v54+s17+$0x0] =	vst.idx.msk vm0, v1  }
0xed: {  	[tilespmem:v5+s17+$0x0] =	vst.idx.msk vm0, v1;
	v5 =	vor.u32 $0x38, v4  }
0xee: {  	v59 =	vor.u32 $0x39, v4;
	[tilespmem:v55+s17+$0x0] =	vst.idx.msk vm0, v1  }
0xef: {  	v60 =	vor.u32 $0x3A, v4;
	[tilespmem:v56+s17+$0x0] =	vst.idx.msk vm0, v1  }
0xf0: {  	v61 =	vor.u32 $0x3B, v4;
	[tilespmem:v57+s17+$0x0] =	vst.idx.msk vm0, v1  }
0xf1: {  	v62 =	vor.u32 $0x3C, v4;
	[tilespmem:v58+s17+$0x0] =	vst.idx.msk vm0, v1  }
0xf2: {  	[tilespmem:v5+s17+$0x0] =	vst.idx.msk vm0, v1;
	v5 =	vor.u32 $0x3D, v4  }
0xf3: {  	v63 =	vor.u32 $0x3E, v4;
	[tilespmem:v59+s17+$0x0] =	vst.idx.msk vm0, v1  }
0xf4: {  	v4 =	vor.u32 $0x3F, v4;
	[tilespmem:v60+s17+$0x0] =	vst.idx.msk vm0, v1  }
.Ltmp13:
0xf5: {  	[tilespmem:v61+s17+$0x0] =	vst.idx.msk vm0, v1;
	(pc) =	sbr.rel .LBB2_11-.Ltmp13, $4  }
0xf6: {  	[tilespmem:v62+s17+$0x0] =	vst.idx.msk vm0, v1  }
0xf7: {  	[tilespmem:v5+s17+$0x0] =	vst.idx.msk vm0, v1  }
0xf8: {  	[tilespmem:v63+s17+$0x0] =	vst.idx.msk vm0, v1  }
0xf9: {  	[tilespmem:v4+s17+$0x0] =	vst.idx.msk vm0, v1  }
.LBB2_13:
.Ltmp14:
0xfa: {  	s20 =	simm.s32 $0x0;
	(pc) =	sbr.rel .LBB2_14-.Ltmp14, $4  }
0xfb: {  	[tilespmem:s15], [sflag:$0x2] =	stream.linear.gather [hbm4b:s6+s20], $0x400, $0x38;
	[tilespmem:$0x2480] =	vst v63  }
0xfc: {  	_ =	swait.ge [sflag:s16], $0x400  }
0xfd: {  	[sflag:s16] =	ssyncset.done $0x0  }
0xfe: {  	s21 =	simm.s32 $0x0;
	[sflag:s16] =	ssyncadd.s32 $0xFFFFFC00  }
.LBB2_18:
0xff: {  	s21 =	sadd.s32 $0x1, s21  }
0x100: {  	s22 =	sshll.u32 s22, $0x3;
	p0 =	sne.s32 s21, $0x32  }
.Ltmp15:
0x101: {  	s22 =	sadd.s32 s10, s22;
	(pc) =	sbr.rel @!p0 .LBB2_19-.Ltmp15, $4  }
0x102: {  	[hbm4b:s22+s11] =	stream.linear.scatter [tilespmem:s17], [sflag:$0x2], $0x2000, $0x38;
	[tilespmem:$0x2480] =	vst v63  }
0x103: {  	_ =	swait.ge [sflag:s16], $0x2000  }
0x104: {  	[sflag:s16] =	ssyncset.done $0x0  }
0x105: {  	[sflag:s16] =	ssyncadd.s32 $0xFFFFE000  }
.LBB2_14:
0x106: {  	s22 =	sshll.u32 s21, $0x7  }
0x107: {  	s22 =	sadd.s32 s13, s22  }
0x108: {  	s23 =	sshrl.u32 s22, $0x3  }
0x109: {  	s23 =	sadd.s32 s2, s23  }
0x10a: {  	[tilespmem:s20], [sflag:$0x2] =	stream.linear.gather [hbm4b:s23+s20], $0x80, $0x38;
	[tilespmem:$0x2480] =	vst v63  }
0x10b: {  	_ =	swait.ge [sflag:s16], $0x80  }
0x10c: {  	[sflag:s16] =	ssyncset.done $0x0  }
.Ltmp16:
0x10d: {  	[sflag:s16] =	ssyncadd.s32 $0xFFFFFF80;
	(pc) =	sbr.rel .LBB2_15-.Ltmp16, $4  }
0x10e: {  	[tilespmem:s17], [sflag:$0x1] =	stream.indirect.gather [hbm4b:s12+s17], $0x40, s20, s17, $0xb8;
	[tilespmem:$0x2480] =	vst v63  }
0x10f: {  	_ =	swait.ge [sflag:s18], $0x2000  }
0x110: {  	[sflag:s18] =	ssyncset.done $0x0  }
0x111: {  	v3 =	vor.u32 s22, v0;
	s23 =	simm.s32 $0x0;
	[sflag:s18] =	ssyncadd.s32 $0xFFFFE000  }
.LBB2_17:
0x112: {  	s23 =	sadd.s32 $0x10, s23  }
0x113: {  	p0 =	sne.s32 s23, $0x80  }
.Ltmp17:
0x114: {  	_ = 	snop;
	(pc) =	sbr.rel @!p0 .LBB2_18-.Ltmp17, $1  }
0x115: {  	_ =	sdelay $0x3  }
.LBB2_15:
0x116: {  	v4 =	vor.u32 s23, v3  }
0x117: {  	v5 =	vmulhi.u32 $0x51EB851F, v4;
	_ =	sdelay $0x1  }
0x118: {  	v5 =	vshrl.u32 v5, $0x6;
	_ =	sdelay $0x4  }
0x119: {  	v6 =	vld.idx.msk [tilespmem:v5+s15+$0x0], $0xffff;
	_ =	sdelay $0x1  }
0x11a: {  	v5 =	vmul.u32 $0xFFFFFF38, v5;
	_ =	sdelay $0x1  }
0x11b: {  	v4 =	vadd.s32 v4, v5  }
0x11c: {  	vm0 =	vge.s32 v4, v6  }
0x11d: {  	v4 =	vsel vm0, $0x3F800000, v1  }
0x11e: {  	(xrf0) =	vmax.scan.msk.f32 $0xffff, v4;
	_ =	sdelay $0x5  }
0x11f: {  	v4, _, _ =	vpop (xrf0)  }
0x120: {  	(v2sf) =	vpush v4, $0xF;
	_ =	sdelay $0xe  }
0x121: {  	s24 =	spop (v2sf)  }
0x122: {  	p0 =	sgt.f32 s24, $0.0e+00  }
.Ltmp18:
0x123: {  	_ = 	snop;
	(pc) =	sbr.rel @!p0 .LBB2_17-.Ltmp18, $1  }
0x124: {  	_ =	sdelay $0x3  }
0x125: {  	v4 =	vmov s23  }
0x126: {  	v4 =	vshll.u32 v4, $0x6  }
0x127: {  	v4 =	vor.u32 v2, v4  }
0x128: {  	v5 =	vor.u32 $0x1, v4  }
0x129: {  	v6 =	vor.u32 $0x2, v4  }
0x12a: {  	v7 =	vor.u32 $0x3, v4  }
0x12b: {  	v8 =	vor.u32 $0x4, v4  }
0x12c: {  	v9 =	vor.u32 $0x5, v4;
	[tilespmem:v4+s17+$0x0] =	vst.idx.msk vm0, v1  }
0x12d: {  	[tilespmem:v5+s17+$0x0] =	vst.idx.msk vm0, v1;
	v5 =	vor.u32 $0x6, v4  }
0x12e: {  	v19 =	vor.u32 $0x7, v4;
	[tilespmem:v6+s17+$0x0] =	vst.idx.msk vm0, v1  }
0x12f: {  	v20 =	vor.u32 $0x8, v4;
	[tilespmem:v7+s17+$0x0] =	vst.idx.msk vm0, v1  }
0x130: {  	v21 =	vor.u32 $0x9, v4;
	[tilespmem:v8+s17+$0x0] =	vst.idx.msk vm0, v1  }
0x131: {  	v22 =	vor.u32 $0xA, v4;
	[tilespmem:v9+s17+$0x0] =	vst.idx.msk vm0, v1  }
0x132: {  	[tilespmem:v5+s17+$0x0] =	vst.idx.msk vm0, v1;
	v5 =	vor.u32 $0xB, v4  }
0x133: {  	v23 =	vor.u32 $0xC, v4;
	[tilespmem:v19+s17+$0x0] =	vst.idx.msk vm0, v1  }
0x134: {  	v24 =	vor.u32 $0xD, v4;
	[tilespmem:v20+s17+$0x0] =	vst.idx.msk vm0, v1  }
0x135: {  	v25 =	vor.u32 $0xE, v4;
	[tilespmem:v21+s17+$0x0] =	vst.idx.msk vm0, v1  }
0x136: {  	v26 =	vor.u32 $0xF, v4;
	[tilespmem:v22+s17+$0x0] =	vst.idx.msk vm0, v1  }
0x137: {  	[tilespmem:v5+s17+$0x0] =	vst.idx.msk vm0, v1;
	v5 =	vor.u32 $0x10, v4  }
0x138: {  	v27 =	vor.u32 $0x11, v4;
	[tilespmem:v23+s17+$0x0] =	vst.idx.msk vm0, v1  }
0x139: {  	v28 =	vor.u32 $0x12, v4;
	[tilespmem:v24+s17+$0x0] =	vst.idx.msk vm0, v1  }
0x13a: {  	v29 =	vor.u32 $0x13, v4;
	[tilespmem:v25+s17+$0x0] =	vst.idx.msk vm0, v1  }
0x13b: {  	v30 =	vor.u32 $0x14, v4;
	[tilespmem:v26+s17+$0x0] =	vst.idx.msk vm0, v1  }
0x13c: {  	[tilespmem:v5+s17+$0x0] =	vst.idx.msk vm0, v1;
	v5 =	vor.u32 $0x15, v4  }
0x13d: {  	v31 =	vor.u32 $0x16, v4;
	[tilespmem:v27+s17+$0x0] =	vst.idx.msk vm0, v1  }
0x13e: {  	v32 =	vor.u32 $0x17, v4;
	[tilespmem:v28+s17+$0x0] =	vst.idx.msk vm0, v1  }
0x13f: {  	v33 =	vor.u32 $0x18, v4;
	[tilespmem:v29+s17+$0x0] =	vst.idx.msk vm0, v1  }
0x140: {  	v34 =	vor.u32 $0x19, v4;
	[tilespmem:v30+s17+$0x0] =	vst.idx.msk vm0, v1  }
0x141: {  	[tilespmem:v5+s17+$0x0] =	vst.idx.msk vm0, v1;
	v5 =	vor.u32 $0x1A, v4  }
0x142: {  	v35 =	vor.u32 $0x1B, v4;
	[tilespmem:v31+s17+$0x0] =	vst.idx.msk vm0, v1  }
0x143: {  	v36 =	vor.u32 $0x1C, v4;
	[tilespmem:v32+s17+$0x0] =	vst.idx.msk vm0, v1  }
0x144: {  	v37 =	vor.u32 $0x1D, v4;
	[tilespmem:v33+s17+$0x0] =	vst.idx.msk vm0, v1  }
0x145: {  	v38 =	vor.u32 $0x1E, v4;
	[tilespmem:v34+s17+$0x0] =	vst.idx.msk vm0, v1  }
0x146: {  	[tilespmem:v5+s17+$0x0] =	vst.idx.msk vm0, v1;
	v5 =	vor.u32 $0x1F, v4  }
0x147: {  	v39 =	vor.u32 $0x20, v4;
	[tilespmem:v35+s17+$0x0] =	vst.idx.msk vm0, v1  }
0x148: {  	v40 =	vor.u32 $0x21, v4;
	[tilespmem:v36+s17+$0x0] =	vst.idx.msk vm0, v1  }
0x149: {  	v41 =	vor.u32 $0x22, v4;
	[tilespmem:v37+s17+$0x0] =	vst.idx.msk vm0, v1  }
0x14a: {  	v42 =	vor.u32 $0x23, v4;
	[tilespmem:v38+s17+$0x0] =	vst.idx.msk vm0, v1  }
0x14b: {  	[tilespmem:v5+s17+$0x0] =	vst.idx.msk vm0, v1;
	v5 =	vor.u32 $0x24, v4  }
0x14c: {  	v43 =	vor.u32 $0x25, v4;
	[tilespmem:v39+s17+$0x0] =	vst.idx.msk vm0, v1  }
0x14d: {  	v44 =	vor.u32 $0x26, v4;
	[tilespmem:v40+s17+$0x0] =	vst.idx.msk vm0, v1  }
0x14e: {  	v45 =	vor.u32 $0x27, v4;
	[tilespmem:v41+s17+$0x0] =	vst.idx.msk vm0, v1  }
0x14f: {  	v46 =	vor.u32 $0x28, v4;
	[tilespmem:v42+s17+$0x0] =	vst.idx.msk vm0, v1  }
0x150: {  	[tilespmem:v5+s17+$0x0] =	vst.idx.msk vm0, v1;
	v5 =	vor.u32 $0x29, v4  }
0x151: {  	v47 =	vor.u32 $0x2A, v4;
	[tilespmem:v43+s17+$0x0] =	vst.idx.msk vm0, v1  }
0x152: {  	v48 =	vor.u32 $0x2B, v4;
	[tilespmem:v44+s17+$0x0] =	vst.idx.msk vm0, v1  }
0x153: {  	v49 =	vor.u32 $0x2C, v4;
	[tilespmem:v45+s17+$0x0] =	vst.idx.msk vm0, v1  }
0x154: {  	v50 =	vor.u32 $0x2D, v4;
	[tilespmem:v46+s17+$0x0] =	vst.idx.msk vm0, v1  }
0x155: {  	[tilespmem:v5+s17+$0x0] =	vst.idx.msk vm0, v1;
	v5 =	vor.u32 $0x2E, v4  }
0x156: {  	v51 =	vor.u32 $0x2F, v4;
	[tilespmem:v47+s17+$0x0] =	vst.idx.msk vm0, v1  }
0x157: {  	v52 =	vor.u32 $0x30, v4;
	[tilespmem:v48+s17+$0x0] =	vst.idx.msk vm0, v1  }
0x158: {  	v53 =	vor.u32 $0x31, v4;
	[tilespmem:v49+s17+$0x0] =	vst.idx.msk vm0, v1  }
0x159: {  	v54 =	vor.u32 $0x32, v4;
	[tilespmem:v50+s17+$0x0] =	vst.idx.msk vm0, v1  }
0x15a: {  	[tilespmem:v5+s17+$0x0] =	vst.idx.msk vm0, v1;
	v5 =	vor.u32 $0x33, v4  }
0x15b: {  	v55 =	vor.u32 $0x34, v4;
	[tilespmem:v51+s17+$0x0] =	vst.idx.msk vm0, v1  }
0x15c: {  	v56 =	vor.u32 $0x35, v4;
	[tilespmem:v52+s17+$0x0] =	vst.idx.msk vm0, v1  }
0x15d: {  	v57 =	vor.u32 $0x36, v4;
	[tilespmem:v53+s17+$0x0] =	vst.idx.msk vm0, v1  }
0x15e: {  	v58 =	vor.u32 $0x37, v4;
	[tilespmem:v54+s17+$0x0] =	vst.idx.msk vm0, v1  }
0x15f: {  	[tilespmem:v5+s17+$0x0] =	vst.idx.msk vm0, v1;
	v5 =	vor.u32 $0x38, v4  }
0x160: {  	v59 =	vor.u32 $0x39, v4;
	[tilespmem:v55+s17+$0x0] =	vst.idx.msk vm0, v1  }
0x161: {  	v60 =	vor.u32 $0x3A, v4;
	[tilespmem:v56+s17+$0x0] =	vst.idx.msk vm0, v1  }
0x162: {  	v61 =	vor.u32 $0x3B, v4;
	[tilespmem:v57+s17+$0x0] =	vst.idx.msk vm0, v1  }
0x163: {  	v62 =	vor.u32 $0x3C, v4;
	[tilespmem:v58+s17+$0x0] =	vst.idx.msk vm0, v1  }
0x164: {  	[tilespmem:v5+s17+$0x0] =	vst.idx.msk vm0, v1;
	v5 =	vor.u32 $0x3D, v4  }
0x165: {  	v63 =	vor.u32 $0x3E, v4;
	[tilespmem:v59+s17+$0x0] =	vst.idx.msk vm0, v1  }
0x166: {  	v4 =	vor.u32 $0x3F, v4;
	[tilespmem:v60+s17+$0x0] =	vst.idx.msk vm0, v1  }
.Ltmp19:
0x167: {  	[tilespmem:v61+s17+$0x0] =	vst.idx.msk vm0, v1;
	(pc) =	sbr.rel .LBB2_17-.Ltmp19, $4  }
0x168: {  	[tilespmem:v62+s17+$0x0] =	vst.idx.msk vm0, v1  }
0x169: {  	[tilespmem:v5+s17+$0x0] =	vst.idx.msk vm0, v1  }
0x16a: {  	[tilespmem:v63+s17+$0x0] =	vst.idx.msk vm0, v1  }
0x16b: {  	[tilespmem:v4+s17+$0x0] =	vst.idx.msk vm0, v1  }
.LBB2_20:
0x16c: {  	_ =	sfence.sel $0x180000  }
0x16d: {  	[bflag:$0x0] =	sbarrier.arrive $0xFFFF  }
0x16e: {  	p0 =	sne.s32 s9, $0x0;
	_ =	strace $0x90000047  }
0x16f: {  	s0 =	sadd.s32 @!p0 $0x100000, s4;
	[bflag:$0x2] =	sbarrier.arrive $0xFFFF  }
0x170: {  	[sflag:s0] =	ssyncadd.tile.s32 @!p0 $0x1;
	_ =	shalt  }
.Lfunc_end2:
_tile_overlayer_lowered:
.L_overlay_start_2:
0x171: {  	(tag) =	ssettag $0x2  }
0x172: {  	s0 =	rddreg [dreg:$0x0];
	s2 =	stileid.u32  }
0x173: {  	s1 =	rddreg [dreg:$0x1];
	p0 =	sne.s32 s2, $0x0  }
0x174: {  	s3 =	rddreg [dreg:$0x2];
	[bflag:$0x3] =	sbarrier.arrive $0xFFFF;
	s2 =	simm.s32 @!p0 $0x1C02  }
0x175: {  	[timem:s3], [sflag:s2] =	dma.local @!p0 [hbm:s0], s1  }
0x176: {  	s0 =	simm.s32 @!p0 $0x2  }
0x177: {  	_ =	swait.ge @!p0 [sflag:s0], s1  }
0x178: {  	s1 =	ssub.s32 @!p0 $0x0, s1;
	[sflag:s0] =	ssyncset.done @!p0 $0x0  }
0x179: {  	[sflag:s0] =	ssyncadd.s32 @!p0 s1  }
0x17a: {  	[bflag:$0x3] =	sbarrier.arrive $0xFFFF  }
0x17b: {  	_ =	shalt  }

// kernel: sparse-core-data-format-call.1.cloned.1.call-start
scs
called_computation.1_lowered:
.L_overlay_start_0:
0x0: {  	s2 =	sld [smem:$0x3FD9]  }
0x1: {  	s3 =	sld [smem:$0x3FFE];
	_ =	sdelay $0x1  }
0x2: {  	s1 =	srdreg.scid  }
0x3: {  	s0 =	sand.u32 $0x1, s1  }
0x4: {  	s16 =	sshll.u32 s0, $0xA;
	s2 =	sadd.s32 s3, s2  }
0x5: {  	s2 =	sadd.s32 s2, s16  }
0x6: {  	[smem:$0x3FC1] =	sst s2  }
0x7: {  	_ = 	snop  }
0x8: {  	s2 =	sld [smem:$0x3FD0];
	_ =	sdelay $0x2  }
0x9: {  	s17 =	simm.s32 $0xC;
	s4 =	simm.s32 $0x10  }
0xa: {  	[smem:s4], [sflag:s17] =	dma.local [hbm:s2], $0x1  }
0xb: {  	_ =	swait.eq [sflag:s17], $0x1  }
0xc: {  	[sflag:s17] =	ssyncset.done $0x0  }
0xd: {  	[sflag:s17] =	ssyncadd.s32 $0xFFFFFFFF  }
0xe: {  	s18 =	sld [smem:$0x11];
	(tm) =	ssettm $0x1  }
0xf: {  	s19 =	sld [smem:$0x3FFB];
	_ =	sdelay $0x3  }
0x10: {  	_ =	strace s19  }
0x11: {  	s2 =	sld [smem:$0x3FFC];
	_ =	sdelay $0x3  }
0x12: {  	_ =	strace s2  }
0x13: {  	s2 =	sld [smem:$0x3FFD];
	_ =	sdelay $0x3  }
0x14: {  	_ =	strace s2  }
0x15: {  	_ =	strace $0x8FFFFFFF  }
0x16: {  	s20 =	sld [smem:$0x3FDB];
	_ =	sdelay $0x1  }
0x17: {  	s21 =	simm.s32 $_scs_section_size  }
0x18: {  	s5 =	simm.s32 $_size__tile_overlayer_lowered;
	s6 =	simm.s32 $_tile_overlayer_lowered  }
0x19: {  	s7 =	simm.s32 $0x1BFF;
	s22 =	sshll.u32 s6, $0x1;
	s4 =	sadd.s32 s21, s20  }
0x1a: {  	s23 =	simm.s32 $0x0;
	s5 =	sshll.u32 s5, $0x1;
	s6 =	sadd.s32 s22, s4  }
0x1b: {  	[timem:s23], [sflag:s7] =	dma.local [hbm:s6], s5  }
0x1c: {  	_ =	swait.ge [sflag:s7], s5  }
0x1d: {  	s5 =	ssub.s32 $0x0, s5;
	[sflag:s7] =	ssyncset.done $0x0  }
0x1e: {  	[sflag:s7] =	ssyncadd.s32 s5;
	_ =	sdelay $0x1  }
0x1f: {  	s24 =	simm.s32 $0x1B8B  }
0x20: {  	_ =	swait.ge [sflag:s24], $0x1  }
0x21: {  	[sflag:s24] =	ssyncset.done $0x0  }
0x22: {  	[sflag:s24] =	ssyncadd.s32 $0xFFFFFFFF  }
0x23: {  	s5 =	sld [smem:$0x0]  }
0x24: {  	s6 =	sand.u32 $0xFFFFFFFE, s1  }
0x25: {  	p0 =	sne.s32 s1, s6  }
0x26: {  	s6 =	sshll.u32 @p0 s6, $0xE  }
0x27: {  	s6 =	sadd.s32 @p0 $0x11B8D, s6;
	s7 =	sshll.u32 @p0 s5, $0x11  }
0x28: {  	s6 =	sor.u32 @p0 s7, s6  }
0x29: {  	[sflag:s6] =	ssyncadd.remote.s32 @p0 $0x1;
	_ =	sdelay $0x1  }
0x2a: {  	s6 =	simm.s32 @p0 $0x1B8D  }
0x2b: {  	_ =	swait.eq @p0 [sflag:s6], $0x1  }
0x2c: {  	[sflag:s6] =	ssyncadd.s32 @p0 $0xFFFFFFFF  }
0x2d: {  	s7 =	sshll.u32 @!p0 s1, $0xE  }
0x2e: {  	s7 =	sor.u32 @!p0 $0x4000, s7;
	s6 =	simm.s32 @!p0 $0x1B8D  }
0x2f: {  	s5 =	sshll.u32 @!p0 s5, $0x11;
	s7 =	sadd.s32 @!p0 $0x11B8D, s7;
	_ =	swait.eq @!p0 [sflag:s6], $0x1  }
0x30: {  	s5 =	sor.u32 @!p0 s5, s7;
	[sflag:s6] =	ssyncadd.s32 @!p0 $0xFFFFFFFF  }
0x31: {  	s26 =	simm.s32 $0x1B8E;
	s25 =	sld [smem:$0x3FFE];
	[sflag:s5] =	ssyncadd.remote.s32 @!p0 $0x1  }
0x32: {  	s27 =	simm.s32 $execute0_lowered;
	[smem:$0x3FD2] =	sst s26  }
0x33: {  	s6 =	sshll.u32 s27, $0x1;
	_ =	strace $0x8000004C;
	[dreg:$0x1] =	wrdreg $0xFFFFFFFF  }
0x34: {  	s28 =	simm.s32 $_size_execute0_lowered;
	s4 =	sadd.s32 s4, s6;
	[dreg:$0x0] =	wrdreg $0x0  }
0x35: {  	s6 =	sshll.u32 s28, $0x1;
	[dreg:$0x2] =	wrdreg s4  }
0x36: {  	[dreg:$0x3] =	wrdreg s6  }
0x37: {  	[dreg:$0x4] =	wrdreg $0xC0  }
0x38: {  	_ =	task [dreg:s23], $0x5FFFF  }
0x39: {  	[dreg:$0x1] =	wrdreg $0xFFFFFFFF  }
0x3a: {  	[dreg:$0x0] =	wrdreg $0x60  }
0x3b: {  	[dreg:$0x2] =	wrdreg s25  }
0x3c: {  	[dreg:$0x3] =	wrdreg s18  }
0x3d: {  	[dreg:$0x4] =	wrdreg $0xA  }
0x3e: {  	_ =	task.clear_ibuf [dreg:s23], $0x5FFFF;
	_ =	strace $0x9000004C  }
0x3f: {  	s29 =	simm.s32 $0xA;
	_ =	strace $0x8000004E  }
0x40: {  	_ =	swait.ge [sflag:s29], $0x1  }
0x41: {  	[sflag:s29] =	ssyncadd.s32 $0xFFFFFFFF  }
0x42: {  	_ =	strace $0x9000004E  }
0x43: {  	_ =	sfence  }
0x44: {  	s30 =	sld [smem:$0x0];
	_ =	sdelay $0x2  }
0x45: {  	s31 =	sshll.u32 s1, $0xD;
	s1 =	sshrl.u32 s1, $0x2  }
0x46: {  	s4 =	sand.u32 $0x4000, s31;
	s1 =	sadd.s32 s1, s30  }
0x47: {  	s0 =	sor.u32 s4, s0;
	s1 =	sshll.u32 s1, $0x11  }
0x48: {  	s0 =	sor.u32 s1, s0  }
0x49: {  	s0 =	sadd.s32 $0x8F2B, s0  }
0x4a: {  	[sflag:s0] =	ssyncadd.remote.s32 $0x1  }
0x4b: {  	_ =	sfence.sel $0xFFFF  }
0x4c: {  	[dreg:$0x0] =	wrdreg $0xFFFFFFFF;
	(pc) =	sbr.abs _section_cstart, $3  }
0x4d: {  	[dreg:$0x1] =	wrdreg $0xFFFFFFFF  }
0x4e: {  	_ =	task.clear_ibuf [dreg:s23], $0x2FFFF;
	_ =	strace $0x9FFFFFFF  }
0x4f: {  	(tm) =	ssettm $0x7FFFFFFF  }
tec
execute0_lowered:
.L_overlay_start_1:
0x0: {  	(tag) =	ssettag $0x1  }
0x1: {  	s0 =	srdreg.scid  }
0x2: {  	s1 =	sshll.u32 s0, $0x4  }
0x3: {  	s4 =	rddreg [dreg:$0x0];
	s0 =	stileid.u32;
	s1 =	sand.u32 $0x10, s1  }
0x4: {  	s2 =	rddreg [dreg:$0x1];
	s7 =	simm.s32 $0x1;
	s1 =	sor.u32 s0, s1  }
0x5: {  	s8 =	simm.s32 $0x2;
	s11 =	simm.s32 $0x0;
	s3 =	sshll.u32 s1, $0x7  }
0x6: {  	s10 =	simm.s32 $0x0;
	s4 =	sadd.s32 $0x321400, s4;
	s6 =	ssub.s32 $0x32000, s3  }
.Ltmp0:
0x7: {  	s1 =	rddreg [dreg:$0x2];
	s5 =	sand.u32 $0xF80, s6;
	(pc) =	sbr.rel .LBB1_1-.Ltmp0, $4  }
0x8: {  	_ =	strace $0x8000004D;
	s9 =	smov.u32 s3;
	p0 =	sne.s32 s5, $0x0  }
0x9: {  	s6 =	sshrl.u32 s6, $0xC;
	s5 =	simm.s32 $0x1;
	s7 =	simm.s32 @!p0 $0x0  }
0xa: {  	[sflag:s5] =	ssyncpa.u1 $0x0;
	p0 =	por $0x0, $0x0;
	s6 =	sadd.s32 s7, s6  }
0xb: {  	[sflag:s8] =	ssyncpa.u1 $0x0;
	s8 =	simm.s32 $0x190000;
	s7 =	sadd.s32 $0x1, s6  }
.LBB1_4:
0xc: {  	s14 =	sshll.u32 s11, $0x3  }
0xd: {  	s30 =	sand.u32 $0x7F, s11;
	s15 =	sand.u32 $0xFFFFFC00, s14  }
0xe: {  	s11 =	sor.u32 s30, s15  }
0xf: {  	s15 =	smulhi.u32 $0x51EB851F, s11  }
0x10: {  	s14 =	smulhi.u32 $0x51EB851F, s14  }
0x11: {  	s15 =	sshrl.u32 s15, $0x10  }
0x12: {  	s14 =	sshrl.u32 s14, $0x10;
	s15 =	smul.u32 $0x32000, s15  }
0x13: {  	s14 =	sand.u32 $0x3F, s14  }
0x14: {  	s14 =	smul.u32 $0x6400, s14;
	s11 =	ssub.s32 s11, s15  }
0x15: {  	[tilespmem:s13+$0x810 ss:$0x81] =	vst.msk $0xffff, v2;
	s15 =	sand.u32 $0x7, s11  }
0x16: {  	[tilespmem:s13+$0x1020 ss:$0x81] =	vst.msk $0xffff, v0;
	s14 =	sadd.s32 s2, s14;
	s11 =	sshrl.u32 s11, $0x3;
	s15 =	sshll.u32 s15, $0x12  }
0x17: {  	[tilespmem:s13+$0x0 ss:$0x81] =	vst.msk $0xffff, v1;
	s11 =	sadd.s32 s11, s14;
	s31 =	sor.u32 $0x400, s15  }
0x18: {  	[hbm4b:s11+s31] =	stream.strided.scatter [tilespmem:s12], [sflag:$0x2], $0x2000, s8, s31, $0x20;
	[tilespmem:$0x8080] =	vst v63  }
.LBB1_5:
0x19: {  	s13 =	sadd.s32 $0x1000, s9  }
0x1a: {  	p2 =	sgt.s32 s13, $0x31FFF  }
0x1b: {  	s13 =	smov.u32 @p2 s3;
	p2 =	sne.s32 s10, s7  }
.Ltmp1:
0x1c: {  	p1 =	slt.u32 s10, $0x2;
	(pc) =	sbr.rel @!p2 .LBB1_6-.Ltmp1, $4  }
0x1d: {  	s12 =	simm.s32 @!p1 $0x2  }
0x1e: {  	s14 =	sadd.s32 $0x1, s10;
	_ =	swait.ge @!p1 [sflag:s12], $0x2000  }
0x1f: {  	s11 =	smov.u32 s9;
	p0 =	por !p0, !p0;
	[sflag:s12] =	ssyncset.done @!p1 $0x0  }
0x20: {  	s10 =	smov.u32 s14;
	s9 =	smov.u32 s13;
	[sflag:s12] =	ssyncadd.s32 @!p1 $0xFFFFE000  }
.LBB1_1:
0x21: {  	p1 =	sge.u32 s10, s6  }
0x22: {  	s12 =	sand.u32 @!p1 $0x1FFFFFF, s9  }
0x23: {  	s13 =	smulhi.u32 @!p1 $0x147AE15, s12;
	_ =	sdelay $0x1  }
0x24: {  	s13 =	sshrl.u32 @!p1 s13, $0xA  }
0x25: {  	s13 =	smul.u32 @!p1 $0x32000, s13;
	_ =	sdelay $0x1  }
0x26: {  	s31 =	sadd.s32 $0xFFFFFFFF, s10;
	s14 =	sxor.u32 @!p1 $0xFFFFFFFF, s10;
	s12 =	ssub.s32 @!p1 s12, s13  }
0x27: {  	s15 =	simm.s32 @!p1 $0x80;
	s14 =	sshll.u32 @!p1 s14, $0xD;
	s12 =	sshll.u32 @!p1 s12, $0x4  }
0x28: {  	s13 =	sand.u32 @!p1 $0x2000, s14;
	s14 =	simm.s32 @!p1 $0x40;
	s12 =	sadd.s32 @!p1 s4, s12  }
0x29: {  	[tilespmem:s13], [sflag:$0x1] =	stream.strided.gather @!p1 [hbm4b:s12+s14], $0x2000, s15, s14, $0x38;
	[tilespmem:$0x8080] =	vst v63  }
0x2a: {  	p1 =	sge.u32 s31, s6  }
.Ltmp2:
0x2b: {  	_ = 	snop;
	(pc) =	sbr.rel @p1 .LBB1_5-.Ltmp2, $1  }
0x2c: {  	_ =	sdelay $0x3  }
0x2d: {  	s12 =	simm.s32 $0x1  }
0x2e: {  	_ =	swait.ge [sflag:s5], $0x2000;
	s12 =	simm.s32 @!p0 $0x0  }
0x2f: {  	[sflag:s5] =	ssyncset.done $0x0;
	s13 =	sshll.u32 s12, $0xD  }
0x30: {  	[sflag:s5] =	ssyncadd.s32 $0xFFFFE000;
	s16 =	sor.u32 $0x20, s13  }
0x31: {  	s12 =	smul.u32 $0x8100, s12;
	v3 =	vld [tilespmem:s16+$0x10]  }
0x32: {  	s30 =	sand.u32 $0x1, s10;
	v2 =	vld [tilespmem:s16+$0xFFFFFFF0]  }
0x33: {  	s13 =	smul.u32 $0x8100, s30;
	s12 =	sshrl.u32 s12, $0x2;
	v0 =	vld [tilespmem:s16+$0x0]  }
0x34: {  	v1 =	vld [tilespmem:s16+$0xFFFFFFE0];
	s14 =	sor.u32 $0x4000, s12  }
0x35: {  	s31 =	sshrl.u32 s13, $0x2;
	s13 =	sadd.s32 $0x0, s14  }
0x36: {  	s15 =	simm.s32 $0x4;
	s16 =	sadd.s32 $0x40, s16;
	s12 =	sor.u32 $0x4000, s31;
	[tilespmem:s13+$0x1830 ss:$0x81] =	vst.msk $0xffff, v3  }
.LBB1_3:
0x37: {  	v3 =	vld [tilespmem:s16+$0x10];
	p1 =	sne.s32 s15, $0x1FC;
	[tilespmem:s13+$0x810 ss:$0x81] =	vst.msk $0xffff, v2;
	s17 =	smov.u32 s15;
	s15 =	sadd.s32 $0x4, s15  }
.Ltmp3:
0x38: {  	v2 =	vld [tilespmem:s16+$0xFFFFFFF0];
	[tilespmem:s13+$0x1020 ss:$0x81] =	vst.msk $0xffff, v0;
	(pc) =	sbr.rel @p1 .LBB1_3-.Ltmp3, $4  }
0x39: {  	v0 =	vld [tilespmem:s16+$0x0];
	[tilespmem:s13+$0x0 ss:$0x81] =	vst.msk $0xffff, v1  }
0x3a: {  	s13 =	sshra.s32 s17, $0x2;
	v1 =	vld [tilespmem:s16+$0xFFFFFFE0]  }
0x3b: {  	s13 =	sadd.s32 s13, s14  }
0x3c: {  	s16 =	sadd.s32 $0x40, s16;
	[tilespmem:s13+$0x1830 ss:$0x81] =	vst.msk $0xffff, v3  }
.Ltmp4:
0x3d: {  	_ = 	snop;
	(pc) =	sbr.rel .LBB1_4-.Ltmp4, $1  }
0x3e: {  	_ =	sdelay $0x3  }
.LBB1_6:
0x3f: {  	_ =	sfence.sel $0x180000  }
0x40: {  	s2 =	simm.s32 $0x1;
	[bflag:$0x0] =	sbarrier.arrive $0xFFFF  }
0x41: {  	s31 =	simm.s32 $0x2;
	[sflag:s2] =	ssyncpa.u1 $0x1  }
0x42: {  	[sflag:s31] =	ssyncpa.u1 $0x1  }
0x43: {  	p0 =	sne.s32 s0, $0x0;
	_ =	strace $0x9000004D  }
0x44: {  	s0 =	sadd.s32 @!p0 $0x100000, s1;
	[bflag:$0x2] =	sbarrier.arrive $0xFFFF  }
0x45: {  	[sflag:s0] =	ssyncadd.tile.s32 @!p0 $0x1;
	_ =	shalt  }
.Lfunc_end1:
_tile_overlayer_lowered:
.L_overlay_start_2:
0x46: {  	(tag) =	ssettag $0x2  }
0x47: {  	s0 =	rddreg [dreg:$0x0];
	s2 =	stileid.u32  }
0x48: {  	s1 =	rddreg [dreg:$0x1];
	p0 =	sne.s32 s2, $0x0  }
0x49: {  	s3 =	rddreg [dreg:$0x2];
	[bflag:$0x3] =	sbarrier.arrive $0xFFFF;
	s2 =	simm.s32 @!p0 $0x1C01  }
0x4a: {  	[timem:s3], [sflag:s2] =	dma.local @!p0 [hbm:s0], s1  }
0x4b: {  	s0 =	simm.s32 @!p0 $0x1  }
0x4c: {  	_ =	swait.ge @!p0 [sflag:s0], s1  }
0x4d: {  	s1 =	ssub.s32 @!p0 $0x0, s1;
	[sflag:s0] =	ssyncset.done @!p0 $0x0  }
0x4e: {  	[sflag:s0] =	ssyncadd.s32 @!p0 s1  }
0x4f: {  	[bflag:$0x3] =	sbarrier.arrive $0xFFFF  }
0x50: {  	_ =	shalt  }

// kernel: sparse-core-data-format-call.2.cloned.1.call-start
scs
called_computation.2_lowered:
.L_overlay_start_0:
0x0: {  	s2 =	sld [smem:$0x3FD9]  }
0x1: {  	s3 =	sld [smem:$0x3FFE];
	_ =	sdelay $0x1  }
0x2: {  	s1 =	srdreg.scid  }
0x3: {  	s0 =	sand.u32 $0x1, s1  }
0x4: {  	s15 =	sshll.u32 s0, $0xA;
	s2 =	sadd.s32 s3, s2  }
0x5: {  	s2 =	sadd.s32 s2, s15  }
0x6: {  	[smem:$0x3FC1] =	sst s2  }
0x7: {  	_ = 	snop  }
0x8: {  	s2 =	sld [smem:$0x3FD0];
	_ =	sdelay $0x2  }
0x9: {  	s16 =	simm.s32 $0xC;
	s4 =	simm.s32 $0x10  }
0xa: {  	[smem:s4], [sflag:s16] =	dma.local [hbm:s2], $0x1  }
0xb: {  	_ =	swait.eq [sflag:s16], $0x1  }
0xc: {  	[sflag:s16] =	ssyncset.done $0x0  }
0xd: {  	[sflag:s16] =	ssyncadd.s32 $0xFFFFFFFF  }
0xe: {  	s17 =	sld [smem:$0x10];
	(tm) =	ssettm $0x1  }
0xf: {  	s18 =	sld [smem:$0x3FFB];
	_ =	sdelay $0x3  }
0x10: {  	_ =	strace s18  }
0x11: {  	s3 =	sld [smem:$0x3FFC];
	_ =	sdelay $0x3  }
0x12: {  	_ =	strace s3  }
0x13: {  	s3 =	sld [smem:$0x3FFD];
	_ =	sdelay $0x3  }
0x14: {  	_ =	strace s3  }
0x15: {  	_ =	strace $0x8FFFFFFF  }
0x16: {  	s19 =	sld [smem:$0x3FDB];
	_ =	sdelay $0x1  }
0x17: {  	s20 =	simm.s32 $_scs_section_size  }
0x18: {  	s5 =	simm.s32 $_size__tile_overlayer_lowered;
	s6 =	simm.s32 $_tile_overlayer_lowered  }
0x19: {  	s23 =	simm.s32 $0x1BFF;
	s22 =	sshll.u32 s6, $0x1;
	s3 =	sadd.s32 s20, s19  }
0x1a: {  	s7 =	simm.s32 $0x0;
	s21 =	sshll.u32 s5, $0x1;
	s5 =	sadd.s32 s22, s3  }
0x1b: {  	[timem:s7], [sflag:s23] =	dma.local [hbm:s5], s21  }
0x1c: {  	_ =	swait.ge [sflag:s23], s21  }
0x1d: {  	s4 =	ssub.s32 $0x0, s21;
	[sflag:s23] =	ssyncset.done $0x0  }
0x1e: {  	[sflag:s23] =	ssyncadd.s32 s4;
	_ =	sdelay $0x1  }
0x1f: {  	s24 =	simm.s32 $0x1B8B  }
0x20: {  	_ =	swait.ge [sflag:s24], $0x1  }
0x21: {  	[sflag:s24] =	ssyncset.done $0x0  }
0x22: {  	s26 =	simm.s32 $0x1B8E;
	s25 =	sld [smem:$0x3FFE];
	[sflag:s24] =	ssyncadd.s32 $0xFFFFFFFF  }
0x23: {  	s27 =	simm.s32 $execute0_lowered;
	[smem:$0x3FD2] =	sst s26  }
0x24: {  	s5 =	sshll.u32 s27, $0x1;
	_ =	strace $0x80000049;
	[dreg:$0x1] =	wrdreg $0xFFFFFFFF  }
0x25: {  	s28 =	simm.s32 $_size_execute0_lowered;
	s3 =	sadd.s32 s3, s5;
	[dreg:$0x0] =	wrdreg $0x0  }
0x26: {  	s5 =	sshll.u32 s28, $0x1;
	[dreg:$0x2] =	wrdreg s3  }
0x27: {  	[dreg:$0x3] =	wrdreg s5  }
0x28: {  	[dreg:$0x4] =	wrdreg $0xC0  }
0x29: {  	_ =	task [dreg:s7], $0x5FFFF  }
0x2a: {  	[dreg:$0x1] =	wrdreg $0xFFFFFFFF  }
0x2b: {  	[dreg:$0x0] =	wrdreg $0x60  }
0x2c: {  	[dreg:$0x2] =	wrdreg s25  }
0x2d: {  	[dreg:$0x3] =	wrdreg s17  }
0x2e: {  	[dreg:$0x4] =	wrdreg $0xB  }
0x2f: {  	_ =	task.clear_ibuf [dreg:s7], $0x5FFFF;
	_ =	strace $0x90000049  }
0x30: {  	s29 =	simm.s32 $0xB;
	_ =	strace $0x8000004B  }
0x31: {  	_ =	swait.ge [sflag:s29], $0x1  }
0x32: {  	[sflag:s29] =	ssyncadd.s32 $0xFFFFFFFF  }
0x33: {  	_ =	strace $0x9000004B  }
0x34: {  	_ =	sfence  }
0x35: {  	s30 =	sld [smem:$0x0];
	_ =	sdelay $0x2  }
0x36: {  	s31 =	sshll.u32 s1, $0xD;
	s1 =	sshrl.u32 s1, $0x2  }
0x37: {  	s3 =	sand.u32 $0x4000, s31;
	s1 =	sadd.s32 s1, s30  }
0x38: {  	s0 =	sor.u32 s3, s0;
	s1 =	sshll.u32 s1, $0x11  }
0x39: {  	s0 =	sor.u32 s1, s0  }
0x3a: {  	s0 =	sadd.s32 $0x8F2B, s0  }
0x3b: {  	[sflag:s0] =	ssyncadd.remote.s32 $0x1  }
0x3c: {  	_ =	sfence.sel $0xFFFF  }
0x3d: {  	[dreg:$0x0] =	wrdreg $0xFFFFFFFF;
	(pc) =	sbr.abs _section_cstart, $3  }
0x3e: {  	[dreg:$0x1] =	wrdreg $0xFFFFFFFF  }
0x3f: {  	_ =	task.clear_ibuf [dreg:s7], $0x2FFFF;
	_ =	strace $0x9FFFFFFF  }
0x40: {  	(tm) =	ssettm $0x7FFFFFFF  }
0x41: {  	_ =	shalt  }
tec
execute0_lowered:
.L_overlay_start_1:
0x0: {  	(tag) =	ssettag $0x1  }
0x1: {  	s0 =	srdreg.scid  }
0x2: {  	s1 =	sshll.u32 s0, $0x4  }
0x3: {  	s4 =	rddreg [dreg:$0x0];
	s0 =	stileid.u32;
	s1 =	sand.u32 $0x10, s1  }
0x4: {  	s2 =	rddreg [dreg:$0x1];
	s7 =	simm.s32 $0x1;
	s1 =	sor.u32 s0, s1  }
0x5: {  	s8 =	simm.s32 $0x2;
	s11 =	simm.s32 $0x0;
	s3 =	sshll.u32 s1, $0x7  }
0x6: {  	s10 =	simm.s32 $0x0;
	s4 =	sadd.s32 $0x1400, s4;
	s6 =	ssub.s32 $0x32000, s3  }
.Ltmp0:
0x7: {  	s1 =	rddreg [dreg:$0x2];
	s5 =	sand.u32 $0xF80, s6;
	(pc) =	sbr.rel .LBB1_1-.Ltmp0, $4  }
0x8: {  	_ =	strace $0x8000004A;
	s9 =	smov.u32 s3;
	p0 =	sne.s32 s5, $0x0  }
0x9: {  	s6 =	sshrl.u32 s6, $0xC;
	s5 =	simm.s32 $0x1;
	s7 =	simm.s32 @!p0 $0x0  }
0xa: {  	[sflag:s5] =	ssyncpa.u1 $0x0;
	p0 =	por $0x0, $0x0;
	s6 =	sadd.s32 s7, s6  }
0xb: {  	[sflag:s8] =	ssyncpa.u1 $0x0;
	s8 =	simm.s32 $0x190000;
	s7 =	sadd.s32 $0x1, s6  }
.LBB1_4:
0xc: {  	s14 =	sshll.u32 s11, $0x3  }
0xd: {  	s30 =	sand.u32 $0x7F, s11;
	s15 =	sand.u32 $0xFFFFFC00, s14  }
0xe: {  	s11 =	sor.u32 s30, s15  }
0xf: {  	s15 =	smulhi.u32 $0x51EB851F, s11  }
0x10: {  	s14 =	smulhi.u32 $0x51EB851F, s14  }
0x11: {  	s15 =	sshrl.u32 s15, $0x10  }
0x12: {  	s14 =	sshrl.u32 s14, $0x10;
	s15 =	smul.u32 $0x32000, s15  }
0x13: {  	s14 =	sand.u32 $0x3F, s14  }
0x14: {  	s14 =	smul.u32 $0x6400, s14;
	s11 =	ssub.s32 s11, s15  }
0x15: {  	[tilespmem:s13+$0x810 ss:$0x81] =	vst.msk $0xffff, v2;
	s15 =	sand.u32 $0x7, s11  }
0x16: {  	[tilespmem:s13+$0x1020 ss:$0x81] =	vst.msk $0xffff, v0;
	s14 =	sadd.s32 s2, s14;
	s11 =	sshrl.u32 s11, $0x3;
	s15 =	sshll.u32 s15, $0x12  }
0x17: {  	[tilespmem:s13+$0x0 ss:$0x81] =	vst.msk $0xffff, v1;
	s11 =	sadd.s32 s11, s14;
	s31 =	sor.u32 $0x400, s15  }
0x18: {  	[hbm4b:s11+s31] =	stream.strided.scatter [tilespmem:s12], [sflag:$0x2], $0x2000, s8, s31, $0x20;
	[tilespmem:$0x8080] =	vst v63  }
.LBB1_5:
0x19: {  	s13 =	sadd.s32 $0x1000, s9  }
0x1a: {  	p2 =	sgt.s32 s13, $0x31FFF  }
0x1b: {  	s13 =	smov.u32 @p2 s3;
	p2 =	sne.s32 s10, s7  }
.Ltmp1:
0x1c: {  	p1 =	slt.u32 s10, $0x2;
	(pc) =	sbr.rel @!p2 .LBB1_6-.Ltmp1, $4  }
0x1d: {  	s12 =	simm.s32 @!p1 $0x2  }
0x1e: {  	s14 =	sadd.s32 $0x1, s10;
	_ =	swait.ge @!p1 [sflag:s12], $0x2000  }
0x1f: {  	s11 =	smov.u32 s9;
	p0 =	por !p0, !p0;
	[sflag:s12] =	ssyncset.done @!p1 $0x0  }
0x20: {  	s10 =	smov.u32 s14;
	s9 =	smov.u32 s13;
	[sflag:s12] =	ssyncadd.s32 @!p1 $0xFFFFE000  }
.LBB1_1:
0x21: {  	p1 =	sge.u32 s10, s6  }
0x22: {  	s12 =	sand.u32 @!p1 $0x1FFFFFF, s9  }
0x23: {  	s13 =	smulhi.u32 @!p1 $0x147AE15, s12;
	_ =	sdelay $0x1  }
0x24: {  	s13 =	sshrl.u32 @!p1 s13, $0xA  }
0x25: {  	s13 =	smul.u32 @!p1 $0x32000, s13;
	_ =	sdelay $0x1  }
0x26: {  	s31 =	sadd.s32 $0xFFFFFFFF, s10;
	s14 =	sxor.u32 @!p1 $0xFFFFFFFF, s10;
	s12 =	ssub.s32 @!p1 s12, s13  }
0x27: {  	s15 =	simm.s32 @!p1 $0x80;
	s14 =	sshll.u32 @!p1 s14, $0xD;
	s12 =	sshll.u32 @!p1 s12, $0x4  }
0x28: {  	s13 =	sand.u32 @!p1 $0x2000, s14;
	s14 =	simm.s32 @!p1 $0x40;
	s12 =	sadd.s32 @!p1 s4, s12  }
0x29: {  	[tilespmem:s13], [sflag:$0x1] =	stream.strided.gather @!p1 [hbm4b:s12+s14], $0x2000, s15, s14, $0x38;
	[tilespmem:$0x8080] =	vst v63  }
0x2a: {  	p1 =	sge.u32 s31, s6  }
.Ltmp2:
0x2b: {  	_ = 	snop;
	(pc) =	sbr.rel @p1 .LBB1_5-.Ltmp2, $1  }
0x2c: {  	_ =	sdelay $0x3  }
0x2d: {  	s12 =	simm.s32 $0x1  }
0x2e: {  	_ =	swait.ge [sflag:s5], $0x2000;
	s12 =	simm.s32 @!p0 $0x0  }
0x2f: {  	[sflag:s5] =	ssyncset.done $0x0;
	s13 =	sshll.u32 s12, $0xD  }
0x30: {  	[sflag:s5] =	ssyncadd.s32 $0xFFFFE000;
	s16 =	sor.u32 $0x20, s13  }
0x31: {  	s12 =	smul.u32 $0x8100, s12;
	v3 =	vld [tilespmem:s16+$0x10]  }
0x32: {  	s30 =	sand.u32 $0x1, s10;
	v2 =	vld [tilespmem:s16+$0xFFFFFFF0]  }
0x33: {  	s13 =	smul.u32 $0x8100, s30;
	s12 =	sshrl.u32 s12, $0x2;
	v0 =	vld [tilespmem:s16+$0x0]  }
0x34: {  	v1 =	vld [tilespmem:s16+$0xFFFFFFE0];
	s14 =	sor.u32 $0x4000, s12  }
0x35: {  	s31 =	sshrl.u32 s13, $0x2;
	s13 =	sadd.s32 $0x0, s14  }
0x36: {  	s15 =	simm.s32 $0x4;
	s16 =	sadd.s32 $0x40, s16;
	s12 =	sor.u32 $0x4000, s31;
	[tilespmem:s13+$0x1830 ss:$0x81] =	vst.msk $0xffff, v3  }
.LBB1_3:
0x37: {  	v3 =	vld [tilespmem:s16+$0x10];
	p1 =	sne.s32 s15, $0x1FC;
	[tilespmem:s13+$0x810 ss:$0x81] =	vst.msk $0xffff, v2;
	s17 =	smov.u32 s15;
	s15 =	sadd.s32 $0x4, s15  }
.Ltmp3:
0x38: {  	v2 =	vld [tilespmem:s16+$0xFFFFFFF0];
	[tilespmem:s13+$0x1020 ss:$0x81] =	vst.msk $0xffff, v0;
	(pc) =	sbr.rel @p1 .LBB1_3-.Ltmp3, $4  }
0x39: {  	v0 =	vld [tilespmem:s16+$0x0];
	[tilespmem:s13+$0x0 ss:$0x81] =	vst.msk $0xffff, v1  }
0x3a: {  	s13 =	sshra.s32 s17, $0x2;
	v1 =	vld [tilespmem:s16+$0xFFFFFFE0]  }
0x3b: {  	s13 =	sadd.s32 s13, s14  }
0x3c: {  	s16 =	sadd.s32 $0x40, s16;
	[tilespmem:s13+$0x1830 ss:$0x81] =	vst.msk $0xffff, v3  }
.Ltmp4:
0x3d: {  	_ = 	snop;
	(pc) =	sbr.rel .LBB1_4-.Ltmp4, $1  }
0x3e: {  	_ =	sdelay $0x3  }
.LBB1_6:
0x3f: {  	_ =	sfence.sel $0x180000  }
0x40: {  	s2 =	simm.s32 $0x1;
	[bflag:$0x0] =	sbarrier.arrive $0xFFFF  }
0x41: {  	s31 =	simm.s32 $0x2;
	[sflag:s2] =	ssyncpa.u1 $0x1  }
0x42: {  	[sflag:s31] =	ssyncpa.u1 $0x1  }
0x43: {  	p0 =	sne.s32 s0, $0x0;
	_ =	strace $0x9000004A  }
0x44: {  	s0 =	sadd.s32 @!p0 $0x100000, s1;
	[bflag:$0x2] =	sbarrier.arrive $0xFFFF  }
0x45: {  	[sflag:s0] =	ssyncadd.tile.s32 @!p0 $0x1;
	_ =	shalt  }
.Lfunc_end1:
_tile_overlayer_lowered:
.L_overlay_start_2:
0x46: {  	(tag) =	ssettag $0x2  }
0x47: {  	s0 =	rddreg [dreg:$0x0];
	s2 =	stileid.u32  }
0x48: {  	s1 =	rddreg [dreg:$0x1];
	p0 =	sne.s32 s2, $0x0  }
0x49: {  	s3 =	rddreg [dreg:$0x2];
	[bflag:$0x3] =	sbarrier.arrive $0xFFFF;
	s2 =	simm.s32 @!p0 $0x1C01  }
0x4a: {  	[timem:s3], [sflag:s2] =	dma.local @!p0 [hbm:s0], s1  }
0x4b: {  	s0 =	simm.s32 @!p0 $0x1  }
0x4c: {  	_ =	swait.ge @!p0 [sflag:s0], s1  }
0x4d: {  	s1 =	ssub.s32 @!p0 $0x0, s1;
	[sflag:s0] =	ssyncset.done @!p0 $0x0  }
0x4e: {  	[sflag:s0] =	ssyncadd.s32 @!p0 s1  }
0x4f: {  	[bflag:$0x3] =	sbarrier.arrive $0xFFFF  }
0x50: {  	_ =	shalt  }

// kernel: sparse-core-data-format-call.cloned.1.call-start
scs
called_computation_lowered:
.L_overlay_start_0:
0x0: {  	s2 =	sld [smem:$0x3FD9]  }
0x1: {  	s3 =	sld [smem:$0x3FFE];
	_ =	sdelay $0x1  }
0x2: {  	s1 =	srdreg.scid  }
0x3: {  	s0 =	sand.u32 $0x1, s1  }
0x4: {  	s16 =	sshll.u32 s0, $0xA;
	s2 =	sadd.s32 s3, s2  }
0x5: {  	s2 =	sadd.s32 s2, s16  }
0x6: {  	[smem:$0x3FC1] =	sst s2  }
0x7: {  	_ = 	snop  }
0x8: {  	s2 =	sld [smem:$0x3FD0];
	_ =	sdelay $0x2  }
0x9: {  	s17 =	simm.s32 $0xC;
	s4 =	simm.s32 $0x10  }
0xa: {  	[smem:s4], [sflag:s17] =	dma.local [hbm:s2], $0x1  }
0xb: {  	_ =	swait.eq [sflag:s17], $0x1  }
0xc: {  	[sflag:s17] =	ssyncset.done $0x0  }
0xd: {  	[sflag:s17] =	ssyncadd.s32 $0xFFFFFFFF  }
0xe: {  	s18 =	sld [smem:$0x12];
	(tm) =	ssettm $0x1  }
0xf: {  	s19 =	sld [smem:$0x3FFB];
	_ =	sdelay $0x3  }
0x10: {  	_ =	strace s19  }
0x11: {  	s2 =	sld [smem:$0x3FFC];
	_ =	sdelay $0x3  }
0x12: {  	_ =	strace s2  }
0x13: {  	s2 =	sld [smem:$0x3FFD];
	_ =	sdelay $0x3  }
0x14: {  	_ =	strace s2  }
0x15: {  	_ =	strace $0x8FFFFFFF  }
0x16: {  	s20 =	sld [smem:$0x3FDB];
	_ =	sdelay $0x1  }
0x17: {  	s21 =	simm.s32 $_scs_section_size  }
0x18: {  	s5 =	simm.s32 $_size__tile_overlayer_lowered;
	s6 =	simm.s32 $_tile_overlayer_lowered  }
0x19: {  	s7 =	simm.s32 $0x1BFF;
	s22 =	sshll.u32 s6, $0x1;
	s4 =	sadd.s32 s21, s20  }
0x1a: {  	s23 =	simm.s32 $0x0;
	s5 =	sshll.u32 s5, $0x1;
	s6 =	sadd.s32 s22, s4  }
0x1b: {  	[timem:s23], [sflag:s7] =	dma.local [hbm:s6], s5  }
0x1c: {  	_ =	swait.ge [sflag:s7], s5  }
0x1d: {  	s5 =	ssub.s32 $0x0, s5;
	[sflag:s7] =	ssyncset.done $0x0  }
0x1e: {  	[sflag:s7] =	ssyncadd.s32 s5;
	_ =	sdelay $0x1  }
0x1f: {  	s24 =	simm.s32 $0x1B8B  }
0x20: {  	_ =	swait.ge [sflag:s24], $0x1  }
0x21: {  	[sflag:s24] =	ssyncset.done $0x0  }
0x22: {  	[sflag:s24] =	ssyncadd.s32 $0xFFFFFFFF  }
0x23: {  	s5 =	sld [smem:$0x0]  }
0x24: {  	s6 =	sand.u32 $0xFFFFFFFE, s1  }
0x25: {  	p0 =	sne.s32 s1, s6  }
0x26: {  	s6 =	sshll.u32 @p0 s6, $0xE  }
0x27: {  	s6 =	sadd.s32 @p0 $0x11B8D, s6;
	s7 =	sshll.u32 @p0 s5, $0x11  }
0x28: {  	s6 =	sor.u32 @p0 s7, s6  }
0x29: {  	[sflag:s6] =	ssyncadd.remote.s32 @p0 $0x1;
	_ =	sdelay $0x1  }
0x2a: {  	s6 =	simm.s32 @p0 $0x1B8D  }
0x2b: {  	_ =	swait.eq @p0 [sflag:s6], $0x1  }
0x2c: {  	[sflag:s6] =	ssyncadd.s32 @p0 $0xFFFFFFFF  }
0x2d: {  	s7 =	sshll.u32 @!p0 s1, $0xE  }
0x2e: {  	s7 =	sor.u32 @!p0 $0x4000, s7;
	s6 =	simm.s32 @!p0 $0x1B8D  }
0x2f: {  	s5 =	sshll.u32 @!p0 s5, $0x11;
	s7 =	sadd.s32 @!p0 $0x11B8D, s7;
	_ =	swait.eq @!p0 [sflag:s6], $0x1  }
0x30: {  	s5 =	sor.u32 @!p0 s5, s7;
	[sflag:s6] =	ssyncadd.s32 @!p0 $0xFFFFFFFF  }
0x31: {  	s26 =	simm.s32 $0x1B8E;
	s25 =	sld [smem:$0x3FFE];
	[sflag:s5] =	ssyncadd.remote.s32 @!p0 $0x1  }
0x32: {  	s27 =	simm.s32 $execute0_lowered;
	[smem:$0x3FD2] =	sst s26  }
0x33: {  	s6 =	sshll.u32 s27, $0x1;
	_ =	strace $0x8000004F;
	[dreg:$0x1] =	wrdreg $0xFFFFFFFF  }
0x34: {  	s28 =	simm.s32 $_size_execute0_lowered;
	s4 =	sadd.s32 s4, s6;
	[dreg:$0x0] =	wrdreg $0x0  }
0x35: {  	s6 =	sshll.u32 s28, $0x1;
	[dreg:$0x2] =	wrdreg s4  }
0x36: {  	[dreg:$0x3] =	wrdreg s6  }
0x37: {  	[dreg:$0x4] =	wrdreg $0xC0  }
0x38: {  	_ =	task [dreg:s23], $0x5FFFF  }
0x39: {  	[dreg:$0x1] =	wrdreg $0xFFFFFFFF  }
0x3a: {  	[dreg:$0x0] =	wrdreg $0x60  }
0x3b: {  	[dreg:$0x2] =	wrdreg s25  }
0x3c: {  	[dreg:$0x3] =	wrdreg s18  }
0x3d: {  	[dreg:$0x4] =	wrdreg $0x9  }
0x3e: {  	_ =	task.clear_ibuf [dreg:s23], $0x5FFFF;
	_ =	strace $0x9000004F  }
0x3f: {  	s29 =	simm.s32 $0x9;
	_ =	strace $0x80000051  }
0x40: {  	_ =	swait.ge [sflag:s29], $0x1  }
0x41: {  	[sflag:s29] =	ssyncadd.s32 $0xFFFFFFFF  }
0x42: {  	_ =	strace $0x90000051  }
0x43: {  	_ =	sfence  }
0x44: {  	s30 =	sld [smem:$0x0];
	_ =	sdelay $0x2  }
0x45: {  	s31 =	sshll.u32 s1, $0xD;
	s1 =	sshrl.u32 s1, $0x2  }
0x46: {  	s4 =	sand.u32 $0x4000, s31;
	s1 =	sadd.s32 s1, s30  }
0x47: {  	s0 =	sor.u32 s4, s0;
	s1 =	sshll.u32 s1, $0x11  }
0x48: {  	s0 =	sor.u32 s1, s0  }
0x49: {  	s0 =	sadd.s32 $0x8F2B, s0  }
0x4a: {  	[sflag:s0] =	ssyncadd.remote.s32 $0x1  }
0x4b: {  	_ =	sfence.sel $0xFFFF  }
0x4c: {  	[dreg:$0x0] =	wrdreg $0xFFFFFFFF;
	(pc) =	sbr.abs _section_cstart, $3  }
0x4d: {  	[dreg:$0x1] =	wrdreg $0xFFFFFFFF  }
0x4e: {  	_ =	task.clear_ibuf [dreg:s23], $0x2FFFF;
	_ =	strace $0x9FFFFFFF  }
0x4f: {  	(tm) =	ssettm $0x7FFFFFFF  }
tec
execute0_lowered:
.L_overlay_start_1:
0x0: {  	(tag) =	ssettag $0x1  }
0x1: {  	s0 =	srdreg.scid  }
0x2: {  	s1 =	sshll.u32 s0, $0x4  }
0x3: {  	s4 =	rddreg [dreg:$0x0];
	s0 =	stileid.u32;
	s1 =	sand.u32 $0x10, s1  }
0x4: {  	s2 =	rddreg [dreg:$0x1];
	s7 =	simm.s32 $0x1;
	s1 =	sor.u32 s0, s1  }
0x5: {  	s8 =	simm.s32 $0x2;
	s11 =	simm.s32 $0x0;
	s3 =	sshll.u32 s1, $0x7  }
0x6: {  	s10 =	simm.s32 $0x0;
	s4 =	sadd.s32 $0x641400, s4;
	s6 =	ssub.s32 $0x32000, s3  }
.Ltmp0:
0x7: {  	s1 =	rddreg [dreg:$0x2];
	s5 =	sand.u32 $0xF80, s6;
	(pc) =	sbr.rel .LBB1_1-.Ltmp0, $4  }
0x8: {  	_ =	strace $0x80000050;
	s9 =	smov.u32 s3;
	p0 =	sne.s32 s5, $0x0  }
0x9: {  	s6 =	sshrl.u32 s6, $0xC;
	s5 =	simm.s32 $0x1;
	s7 =	simm.s32 @!p0 $0x0  }
0xa: {  	[sflag:s5] =	ssyncpa.u1 $0x0;
	p0 =	por $0x0, $0x0;
	s6 =	sadd.s32 s7, s6  }
0xb: {  	[sflag:s8] =	ssyncpa.u1 $0x0;
	s8 =	simm.s32 $0x190000;
	s7 =	sadd.s32 $0x1, s6  }
.LBB1_4:
0xc: {  	s14 =	sshll.u32 s11, $0x3  }
0xd: {  	s30 =	sand.u32 $0x7F, s11;
	s15 =	sand.u32 $0xFFFFFC00, s14  }
0xe: {  	s11 =	sor.u32 s30, s15  }
0xf: {  	s15 =	smulhi.u32 $0x51EB851F, s11  }
0x10: {  	s14 =	smulhi.u32 $0x51EB851F, s14  }
0x11: {  	s15 =	sshrl.u32 s15, $0x10  }
0x12: {  	s14 =	sshrl.u32 s14, $0x10;
	s15 =	smul.u32 $0x32000, s15  }
0x13: {  	s14 =	sand.u32 $0x3F, s14  }
0x14: {  	s14 =	smul.u32 $0x6400, s14;
	s11 =	ssub.s32 s11, s15  }
0x15: {  	[tilespmem:s13+$0x810 ss:$0x81] =	vst.msk $0xffff, v2;
	s15 =	sand.u32 $0x7, s11  }
0x16: {  	[tilespmem:s13+$0x1020 ss:$0x81] =	vst.msk $0xffff, v0;
	s14 =	sadd.s32 s2, s14;
	s11 =	sshrl.u32 s11, $0x3;
	s15 =	sshll.u32 s15, $0x12  }
0x17: {  	[tilespmem:s13+$0x0 ss:$0x81] =	vst.msk $0xffff, v1;
	s11 =	sadd.s32 s11, s14;
	s31 =	sor.u32 $0x400, s15  }
0x18: {  	[hbm4b:s11+s31] =	stream.strided.scatter [tilespmem:s12], [sflag:$0x2], $0x2000, s8, s31, $0x20;
	[tilespmem:$0x8080] =	vst v63  }
.LBB1_5:
0x19: {  	s13 =	sadd.s32 $0x1000, s9  }
0x1a: {  	p2 =	sgt.s32 s13, $0x31FFF  }
0x1b: {  	s13 =	smov.u32 @p2 s3;
	p2 =	sne.s32 s10, s7  }
.Ltmp1:
0x1c: {  	p1 =	slt.u32 s10, $0x2;
	(pc) =	sbr.rel @!p2 .LBB1_6-.Ltmp1, $4  }
0x1d: {  	s12 =	simm.s32 @!p1 $0x2  }
0x1e: {  	s14 =	sadd.s32 $0x1, s10;
	_ =	swait.ge @!p1 [sflag:s12], $0x2000  }
0x1f: {  	s11 =	smov.u32 s9;
	p0 =	por !p0, !p0;
	[sflag:s12] =	ssyncset.done @!p1 $0x0  }
0x20: {  	s10 =	smov.u32 s14;
	s9 =	smov.u32 s13;
	[sflag:s12] =	ssyncadd.s32 @!p1 $0xFFFFE000  }
.LBB1_1:
0x21: {  	p1 =	sge.u32 s10, s6  }
0x22: {  	s12 =	sand.u32 @!p1 $0x1FFFFFF, s9  }
0x23: {  	s13 =	smulhi.u32 @!p1 $0x147AE15, s12;
	_ =	sdelay $0x1  }
0x24: {  	s13 =	sshrl.u32 @!p1 s13, $0xA  }
0x25: {  	s13 =	smul.u32 @!p1 $0x32000, s13;
	_ =	sdelay $0x1  }
0x26: {  	s31 =	sadd.s32 $0xFFFFFFFF, s10;
	s14 =	sxor.u32 @!p1 $0xFFFFFFFF, s10;
	s12 =	ssub.s32 @!p1 s12, s13  }
0x27: {  	s15 =	simm.s32 @!p1 $0x80;
	s14 =	sshll.u32 @!p1 s14, $0xD;
	s12 =	sshll.u32 @!p1 s12, $0x4  }
0x28: {  	s13 =	sand.u32 @!p1 $0x2000, s14;
	s14 =	simm.s32 @!p1 $0x40;
	s12 =	sadd.s32 @!p1 s4, s12  }
0x29: {  	[tilespmem:s13], [sflag:$0x1] =	stream.strided.gather @!p1 [hbm4b:s12+s14], $0x2000, s15, s14, $0x38;
	[tilespmem:$0x8080] =	vst v63  }
0x2a: {  	p1 =	sge.u32 s31, s6  }
.Ltmp2:
0x2b: {  	_ = 	snop;
	(pc) =	sbr.rel @p1 .LBB1_5-.Ltmp2, $1  }
0x2c: {  	_ =	sdelay $0x3  }
0x2d: {  	s12 =	simm.s32 $0x1  }
0x2e: {  	_ =	swait.ge [sflag:s5], $0x2000;
	s12 =	simm.s32 @!p0 $0x0  }
0x2f: {  	[sflag:s5] =	ssyncset.done $0x0;
	s13 =	sshll.u32 s12, $0xD  }
0x30: {  	[sflag:s5] =	ssyncadd.s32 $0xFFFFE000;
	s16 =	sor.u32 $0x20, s13  }
0x31: {  	s12 =	smul.u32 $0x8100, s12;
	v3 =	vld [tilespmem:s16+$0x10]  }
0x32: {  	s30 =	sand.u32 $0x1, s10;
	v2 =	vld [tilespmem:s16+$0xFFFFFFF0]  }
0x33: {  	s13 =	smul.u32 $0x8100, s30;
	s12 =	sshrl.u32 s12, $0x2;
	v0 =	vld [tilespmem:s16+$0x0]  }
0x34: {  	v1 =	vld [tilespmem:s16+$0xFFFFFFE0];
	s14 =	sor.u32 $0x4000, s12  }
0x35: {  	s31 =	sshrl.u32 s13, $0x2;
	s13 =	sadd.s32 $0x0, s14  }
0x36: {  	s15 =	simm.s32 $0x4;
	s16 =	sadd.s32 $0x40, s16;
	s12 =	sor.u32 $0x4000, s31;
	[tilespmem:s13+$0x1830 ss:$0x81] =	vst.msk $0xffff, v3  }
.LBB1_3:
0x37: {  	v3 =	vld [tilespmem:s16+$0x10];
	p1 =	sne.s32 s15, $0x1FC;
	[tilespmem:s13+$0x810 ss:$0x81] =	vst.msk $0xffff, v2;
	s17 =	smov.u32 s15;
	s15 =	sadd.s32 $0x4, s15  }
.Ltmp3:
0x38: {  	v2 =	vld [tilespmem:s16+$0xFFFFFFF0];
	[tilespmem:s13+$0x1020 ss:$0x81] =	vst.msk $0xffff, v0;
	(pc) =	sbr.rel @p1 .LBB1_3-.Ltmp3, $4  }
0x39: {  	v0 =	vld [tilespmem:s16+$0x0];
	[tilespmem:s13+$0x0 ss:$0x81] =	vst.msk $0xffff, v1  }
0x3a: {  	s13 =	sshra.s32 s17, $0x2;
	v1 =	vld [tilespmem:s16+$0xFFFFFFE0]  }
0x3b: {  	s13 =	sadd.s32 s13, s14  }
0x3c: {  	s16 =	sadd.s32 $0x40, s16;
	[tilespmem:s13+$0x1830 ss:$0x81] =	vst.msk $0xffff, v3  }
.Ltmp4:
0x3d: {  	_ = 	snop;
	(pc) =	sbr.rel .LBB1_4-.Ltmp4, $1  }
0x3e: {  	_ =	sdelay $0x3  }
.LBB1_6:
0x3f: {  	_ =	sfence.sel $0x180000  }
0x40: {  	s2 =	simm.s32 $0x1;
	[bflag:$0x0] =	sbarrier.arrive $0xFFFF  }
0x41: {  	s31 =	simm.s32 $0x2;
	[sflag:s2] =	ssyncpa.u1 $0x1  }
0x42: {  	[sflag:s31] =	ssyncpa.u1 $0x1  }
0x43: {  	p0 =	sne.s32 s0, $0x0;
	_ =	strace $0x90000050  }
0x44: {  	s0 =	sadd.s32 @!p0 $0x100000, s1;
	[bflag:$0x2] =	sbarrier.arrive $0xFFFF  }
0x45: {  	[sflag:s0] =	ssyncadd.tile.s32 @!p0 $0x1;
	_ =	shalt  }
.Lfunc_end1:
_tile_overlayer_lowered:
.L_overlay_start_2:
0x46: {  	(tag) =	ssettag $0x2  }
0x47: {  	s0 =	rddreg [dreg:$0x0];
	s2 =	stileid.u32  }
0x48: {  	s1 =	rddreg [dreg:$0x1];
	p0 =	sne.s32 s2, $0x0  }
0x49: {  	s3 =	rddreg [dreg:$0x2];
	[bflag:$0x3] =	sbarrier.arrive $0xFFFF;
	s2 =	simm.s32 @!p0 $0x1C01  }
0x4a: {  	[timem:s3], [sflag:s2] =	dma.local @!p0 [hbm:s0], s1  }
0x4b: {  	s0 =	simm.s32 @!p0 $0x1  }
0x4c: {  	_ =	swait.ge @!p0 [sflag:s0], s1  }
0x4d: {  	s1 =	ssub.s32 @!p0 $0x0, s1;
	[sflag:s0] =	ssyncset.done @!p0 $0x0  }
0x4e: {  	[sflag:s0] =	ssyncadd.s32 @!p0 s1  }
0x4f: {  	[bflag:$0x3] =	sbarrier.arrive $0xFFFF  }
0x50: {  	_ =	shalt  }

</sc_bundles>
